<compile_context>
chip_gen: v7x
topology: tpu7x:2x2x1
jax: 0.10.2.dev20260603
libtpu: 0.0.44.dev20260713+nightly
codegen_flags: <defaults>
</compile_context>

<pallas_src>
import functools

import jax
import jax.numpy as jnp
from jax import lax
from jax.experimental import pallas as pl
from jax.experimental.pallas import tpu as pltpu
from jax.experimental.pallas import tpu_sc as plsc

B = 1024
L = 20
D = 128
V = 1000

N_IDX = B * L

_INFO = plsc.get_sparse_core_info()
NC = _INFO.num_cores
NW = NC * _INFO.num_subcores
ROWS_PER_W = N_IDX // NW
CHUNK = 128
N_CHUNKS = ROWS_PER_W // CHUNK
B_CHUNKS = B // CHUNK


def _gather_body(emb_hbm, idx_hbm, out_hbm, idx_v, rows_v, emb_sp, isem, sem):
    sid = lax.axis_index("s")
    wid = sid * NC + lax.axis_index("c")
    base = wid * ROWS_PER_W
    idx_copies = []
    for k in range(N_CHUNKS):
        t = wid * N_CHUNKS + k
        l_row = t // B_CHUNKS
        col = (t % B_CHUNKS) * CHUNK
        idx_copies.append(
            pltpu.async_copy(
                idx_hbm.at[l_row, pl.ds(col, CHUNK)],
                idx_v.at[pl.ds(k * CHUNK, CHUNK)],
                isem,
            )
        )
    @pl.when(sid < 5)
    def _stage():
        pltpu.sync_copy(
            emb_hbm.at[pl.ds(sid * 200, 200)], emb_sp.at[pl.ds(sid * 200, 200)]
        )
    plsc.subcore_barrier()
    copies = []
    for j in range(N_CHUNKS):
        idx_copies[j].wait()
        copies.append(
            pltpu.async_copy(
                emb_sp.at[idx_v.at[pl.ds(j * CHUNK, CHUNK)]],
                rows_v.at[pl.ds(j * CHUNK, CHUNK)],
                sem,
            )
        )
    writes = []
    for j in range(N_CHUNKS):
        copies[j].wait()
        writes.append(
            pltpu.async_copy(
                rows_v.at[pl.ds(j * CHUNK, CHUNK)],
                out_hbm.at[pl.ds(base + j * CHUNK, CHUNK)],
                isem,
            )
        )
    for c in writes:
        c.wait()


@functools.partial(
    pl.kernel,
    out_type=jax.ShapeDtypeStruct((N_IDX, D), jnp.float32),
    mesh=plsc.VectorSubcoreMesh(core_axis_name="c", subcore_axis_name="s"),
    scratch_types=[
        pltpu.VMEM((ROWS_PER_W,), jnp.int32),
        pltpu.VMEM((ROWS_PER_W, D), jnp.float32),
        pltpu.VMEM_SHARED((V, D), jnp.float32),
        pltpu.SemaphoreType.DMA,
        pltpu.SemaphoreType.DMA,
    ],
)
def _sc_gather(emb_hbm, idx_hbm, out_hbm, idx_v, rows_v, emb_sp, isem, sem):
    _gather_body(emb_hbm, idx_hbm, out_hbm, idx_v, rows_v, emb_sp, isem, sem)


BS = 256


def _matmul_body(x_ref, w_ref, b_ref, out_ref):
    x = jnp.concatenate([x_ref[l] for l in range(L)], axis=1)
    out_ref[:] = (
        lax.dot_general(
            w_ref[:],
            x,
            dimension_numbers=(((1,), (1,)), ((), ())),
            preferred_element_type=jnp.float32,
        )
        + b_ref[:]
    )


def _tc_matmul_t(x3, W, bcol):
    return pl.pallas_call(
        _matmul_body,
        grid=(B // BS,),
        in_specs=[
            pl.BlockSpec((L, BS, D), lambda i: (0, i, 0)),
            pl.BlockSpec((V, L * D), lambda i: (0, 0)),
            pl.BlockSpec((V, 1), lambda i: (0, 0)),
        ],
        out_specs=pl.BlockSpec((V, BS), lambda i: (0, i)),
        out_shape=jax.ShapeDtypeStruct((V, B), jnp.float32),
    )(x3, W, bcol)


def kernel(idx, emb, W, b):
    idx_lm = idx.T
    x = _sc_gather(emb, idx_lm)
    x3 = x.reshape(L, B, D)
    out_t = _tc_matmul_t(x3, W, b.reshape(V, 1))
    return out_t.T

# --- scband reference (transcript-rebuilt; emitter-appended) ---
"""Pipeline reference for scband-transformer-14216341749981 (READ-ONLY COPY).

The authoritative reference and input builder live on the scoring server;
editing this copy changes nothing except your own understanding.
"""

import jax, jax.numpy as jnp
import numpy as np

B = 1024
L = 20
DIM_EMBED = 128
CHAR_SIZE = 1000


def setup_inputs(seed: int = 0) -> dict:
    key = jax.random.key(seed)
    k_idx, k_emb, k_w, k_b = jax.random.split(key, 4)
    idx = jax.random.randint(k_idx, (B, L), 0, CHAR_SIZE, dtype=jnp.int64 if jax.config.jax_enable_x64 else jnp.int32).astype(jnp.int32)
    emb = jax.random.normal(k_emb, (CHAR_SIZE, DIM_EMBED), dtype=jnp.float32) * 0.02
    # fc: Linear(dim_embed * L -> char_size), PyTorch stores W as [out, in]
    W = jax.random.normal(k_w, (CHAR_SIZE, DIM_EMBED * L), dtype=jnp.float32) * (1.0 / np.sqrt(DIM_EMBED * L))
    b = jnp.zeros((CHAR_SIZE,), dtype=jnp.float32)
    return {"idx": idx, "emb": emb, "W": W, "b": b}


def reference(idx, emb, W, b):
    # token embedding lookup: [B, L, D]
    x = jnp.take(emb, idx, axis=0)
    # flatten: [B, L*D]
    x = x.reshape(x.shape[0], -1)
    # linear: logits [B, char_size]
    logits = x @ W.T + b
    return logits

if __name__ == "__main__":
    import jax
    _d = setup_inputs()
    print(jax.jit(kernel)(*tuple(_d.values())))

</pallas_src>

<mosaic_0001>
#map = affine_map<(d0, d1) -> (0, 0)>
module attributes {stable_mosaic.version = 14 : i64} {
  func.func @_sc_gather(%arg0: i32, %arg1: i32, %arg2: memref<1000x128xf32, #tpu.memory_space<hbm>>, %arg3: memref<20x1024xi32, #tpu.memory_space<hbm>>, %arg4: memref<20480x128xf32, #tpu.memory_space<hbm>>, %arg5: memref<640xi32, #tpu.memory_space<vmem>>, %arg6: memref<640x128xf32, #tpu.memory_space<vmem>>, %arg7: memref<1000x128xf32, #tpu.memory_space<vmem_shared>>, %arg8: memref<!tpu.dma_semaphore, #tpu.memory_space<semaphore_mem>>, %arg9: memref<!tpu.dma_semaphore, #tpu.memory_space<semaphore_mem>>) attributes {dimension_semantics = [#tpu.dimension_semantics<core_parallel>, #tpu.dimension_semantics<subcore_parallel>], iteration_bounds = array<i64: 2, 16>, scalar_prefetch = 0 : i64, scratch_operands = 5 : i64, tpu.core_type = #tpu.core_type<sc_vector_subcore>, window_params = [{transform_indices = #map}, {transform_indices = #map}, {transform_indices = #map}]} {
    %mul3A = arith.constant 2 : i32
    %mul3A_0 = arith.muli %arg1, %mul3A : i32
    %add3A = arith.addi %mul3A_0, %arg0 : i32
    %mul3A_1 = arith.constant 640 : i32
    %mul3A_2 = arith.muli %add3A, %mul3A_1 : i32
    %mul3A_3 = arith.constant 5 : i32
    %mul3A_4 = arith.muli %add3A, %mul3A_3 : i32
    %add3A_5 = arith.constant 0 : i32
    %add3A_6 = arith.addi %mul3A_4, %add3A_5 : i32
    %jit3A = arith.constant 8 : i32
    %div3A = arith.divsi %add3A_6, %jit3A : i32
    %sign3A = arith.constant 0 : i32
    %sign3A_7 = arith.cmpi sgt, %add3A_6, %sign3A : i32
    %sign3A_8 = arith.extui %sign3A_7 : i1 to i32
    %sign3A_9 = arith.constant 0 : i32
    %sign3A_10 = arith.cmpi slt, %add3A_6, %sign3A_9 : i32
    %sign3A_11 = arith.extui %sign3A_10 : i1 to i32
    %sign3A_12 = arith.subi %sign3A_8, %sign3A_11 : i32
    %sign3A_13 = arith.constant 0 : i32
    %sign3A_14 = arith.cmpi sgt, %jit3A, %sign3A_13 : i32
    %sign3A_15 = arith.extui %sign3A_14 : i1 to i32
    %sign3A_16 = arith.constant 0 : i32
    %sign3A_17 = arith.cmpi slt, %jit3A, %sign3A_16 : i32
    %sign3A_18 = arith.extui %sign3A_17 : i1 to i32
    %sign3A_19 = arith.subi %sign3A_15, %sign3A_18 : i32
    %ne3A = arith.cmpi ne, %sign3A_12, %sign3A_19 : i32
    %rem3A = arith.remsi %add3A_6, %jit3A : i32
    %ne3A_20 = arith.constant 0 : i32
    %ne3A_21 = arith.cmpi ne, %rem3A, %ne3A_20 : i32
    %and3A = arith.andi %ne3A, %ne3A_21 : i1
    %sub3A = arith.constant 1 : i32
    %sub3A_22 = arith.subi %div3A, %sub3A : i32
    %select_n3A = arith.select %and3A, %sub3A_22, %div3A : i32
    %jit3A_23 = arith.constant 8 : i32
    %eq3A = arith.constant 0 : i32
    %eq3A_24 = arith.cmpi eq, %jit3A_23, %eq3A : i32
    %jit3A_25 = arith.constant 1 : i32
    %select_n3A_26 = arith.select %eq3A_24, %jit3A_25, %jit3A_23 : i32
    %rem3A_27 = arith.remsi %add3A_6, %select_n3A_26 : i32
    %ne3A_28 = arith.constant 0 : i32
    %ne3A_29 = arith.cmpi ne, %rem3A_27, %ne3A_28 : i32
    %lt3A = arith.constant 0 : i32
    %lt3A_30 = arith.cmpi slt, %rem3A_27, %lt3A : i32
    %lt3A_31 = arith.constant 0 : i32
    %lt3A_32 = arith.cmpi slt, %select_n3A_26, %lt3A_31 : i32
    %ne3A_33 = arith.xori %lt3A_30, %lt3A_32 : i1
    %and3A_34 = arith.andi %ne3A_33, %ne3A_29 : i1
    %add3A_35 = arith.addi %rem3A_27, %select_n3A_26 : i32
    %select_n3A_36 = arith.select %and3A_34, %add3A_35, %rem3A_27 : i32
    %mul3A_37 = arith.constant 128 : i32
    %mul3A_38 = arith.muli %select_n3A_36, %mul3A_37 : i32
    %dma_start3A = arith.constant 0 : i32
    %dma_start3A_39 = tpu.memref_slice %arg5[%dma_start3A] : memref<640xi32, #tpu.memory_space<vmem>> -> memref<128xi32, #tpu.memory_space<vmem>>
    %dma_start3A_40 = tpu.memref_slice %arg3[%select_n3A, %mul3A_38] : memref<20x1024xi32, #tpu.memory_space<hbm>> -> memref<1x128xi32, #tpu.memory_space<hbm>>
    %dma_start3A_41 = tpu.memref_squeeze %dma_start3A_40 : memref<1x128xi32, #tpu.memory_space<hbm>> -> memref<128xi32, #tpu.memory_space<hbm>>
    %dma_start3A_42 = arith.constant 0 : i32
    %dma_start3A_43 = tpu.memref_slice %arg5[%dma_start3A_42] : memref<640xi32, #tpu.memory_space<vmem>> -> memref<128xi32, #tpu.memory_space<vmem>>
    %dma_start3A_44 = tpu.memref_slice %arg3[%select_n3A, %mul3A_38] : memref<20x1024xi32, #tpu.memory_space<hbm>> -> memref<1x128xi32, #tpu.memory_space<hbm>>
    %dma_start3A_45 = tpu.memref_squeeze %dma_start3A_44 : memref<1x128xi32, #tpu.memory_space<hbm>> -> memref<128xi32, #tpu.memory_space<hbm>>
    tpu.enqueue_dma source(%dma_start3A_45 : memref<128xi32, #tpu.memory_space<hbm>>) target(%dma_start3A_43 : memref<128xi32, #tpu.memory_space<vmem>>) target_semaphore(%arg8 : memref<!tpu.dma_semaphore, #tpu.memory_space<semaphore_mem>>)
    %mul3A_46 = arith.constant 5 : i32
    %mul3A_47 = arith.muli %add3A, %mul3A_46 : i32
    %add3A_48 = arith.constant 1 : i32
    %add3A_49 = arith.addi %mul3A_47, %add3A_48 : i32
    %jit3A_50 = arith.constant 8 : i32
    %div3A_51 = arith.divsi %add3A_49, %jit3A_50 : i32
    %sign3A_52 = arith.constant 0 : i32
    %sign3A_53 = arith.cmpi sgt, %add3A_49, %sign3A_52 : i32
    %sign3A_54 = arith.extui %sign3A_53 : i1 to i32
    %sign3A_55 = arith.constant 0 : i32
    %sign3A_56 = arith.cmpi slt, %add3A_49, %sign3A_55 : i32
    %sign3A_57 = arith.extui %sign3A_56 : i1 to i32
    %sign3A_58 = arith.subi %sign3A_54, %sign3A_57 : i32
    %sign3A_59 = arith.constant 0 : i32
    %sign3A_60 = arith.cmpi sgt, %jit3A_50, %sign3A_59 : i32
    %sign3A_61 = arith.extui %sign3A_60 : i1 to i32
    %sign3A_62 = arith.constant 0 : i32
    %sign3A_63 = arith.cmpi slt, %jit3A_50, %sign3A_62 : i32
    %sign3A_64 = arith.extui %sign3A_63 : i1 to i32
    %sign3A_65 = arith.subi %sign3A_61, %sign3A_64 : i32
    %ne3A_66 = arith.cmpi ne, %sign3A_58, %sign3A_65 : i32
    %rem3A_67 = arith.remsi %add3A_49, %jit3A_50 : i32
    %ne3A_68 = arith.constant 0 : i32
    %ne3A_69 = arith.cmpi ne, %rem3A_67, %ne3A_68 : i32
    %and3A_70 = arith.andi %ne3A_66, %ne3A_69 : i1
    %sub3A_71 = arith.constant 1 : i32
    %sub3A_72 = arith.subi %div3A_51, %sub3A_71 : i32
    %select_n3A_73 = arith.select %and3A_70, %sub3A_72, %div3A_51 : i32
    %jit3A_74 = arith.constant 8 : i32
    %eq3A_75 = arith.constant 0 : i32
    %eq3A_76 = arith.cmpi eq, %jit3A_74, %eq3A_75 : i32
    %jit3A_77 = arith.constant 1 : i32
    %select_n3A_78 = arith.select %eq3A_76, %jit3A_77, %jit3A_74 : i32
    %rem3A_79 = arith.remsi %add3A_49, %select_n3A_78 : i32
    %ne3A_80 = arith.constant 0 : i32
    %ne3A_81 = arith.cmpi ne, %rem3A_79, %ne3A_80 : i32
    %lt3A_82 = arith.constant 0 : i32
    %lt3A_83 = arith.cmpi slt, %rem3A_79, %lt3A_82 : i32
    %lt3A_84 = arith.constant 0 : i32
    %lt3A_85 = arith.cmpi slt, %select_n3A_78, %lt3A_84 : i32
    %ne3A_86 = arith.xori %lt3A_83, %lt3A_85 : i1
    %and3A_87 = arith.andi %ne3A_86, %ne3A_81 : i1
    %add3A_88 = arith.addi %rem3A_79, %select_n3A_78 : i32
    %select_n3A_89 = arith.select %and3A_87, %add3A_88, %rem3A_79 : i32
    %mul3A_90 = arith.constant 128 : i32
    %mul3A_91 = arith.muli %select_n3A_89, %mul3A_90 : i32
    %dma_start3A_92 = arith.constant 128 : i32
    %dma_start3A_93 = tpu.memref_slice %arg5[%dma_start3A_92] : memref<640xi32, #tpu.memory_space<vmem>> -> memref<128xi32, #tpu.memory_space<vmem>>
    %dma_start3A_94 = tpu.memref_slice %arg3[%select_n3A_73, %mul3A_91] : memref<20x1024xi32, #tpu.memory_space<hbm>> -> memref<1x128xi32, #tpu.memory_space<hbm>>
    %dma_start3A_95 = tpu.memref_squeeze %dma_start3A_94 : memref<1x128xi32, #tpu.memory_space<hbm>> -> memref<128xi32, #tpu.memory_space<hbm>>
    %dma_start3A_96 = arith.constant 128 : i32
    %dma_start3A_97 = tpu.memref_slice %arg5[%dma_start3A_96] : memref<640xi32, #tpu.memory_space<vmem>> -> memref<128xi32, #tpu.memory_space<vmem>>
    %dma_start3A_98 = tpu.memref_slice %arg3[%select_n3A_73, %mul3A_91] : memref<20x1024xi32, #tpu.memory_space<hbm>> -> memref<1x128xi32, #tpu.memory_space<hbm>>
    %dma_start3A_99 = tpu.memref_squeeze %dma_start3A_98 : memref<1x128xi32, #tpu.memory_space<hbm>> -> memref<128xi32, #tpu.memory_space<hbm>>
    tpu.enqueue_dma source(%dma_start3A_99 : memref<128xi32, #tpu.memory_space<hbm>>) target(%dma_start3A_97 : memref<128xi32, #tpu.memory_space<vmem>>) target_semaphore(%arg8 : memref<!tpu.dma_semaphore, #tpu.memory_space<semaphore_mem>>)
    %mul3A_100 = arith.constant 5 : i32
    %mul3A_101 = arith.muli %add3A, %mul3A_100 : i32
    %add3A_102 = arith.constant 2 : i32
    %add3A_103 = arith.addi %mul3A_101, %add3A_102 : i32
    %jit3A_104 = arith.constant 8 : i32
    %div3A_105 = arith.divsi %add3A_103, %jit3A_104 : i32
    %sign3A_106 = arith.constant 0 : i32
    %sign3A_107 = arith.cmpi sgt, %add3A_103, %sign3A_106 : i32
    %sign3A_108 = arith.extui %sign3A_107 : i1 to i32
    %sign3A_109 = arith.constant 0 : i32
    %sign3A_110 = arith.cmpi slt, %add3A_103, %sign3A_109 : i32
    %sign3A_111 = arith.extui %sign3A_110 : i1 to i32
    %sign3A_112 = arith.subi %sign3A_108, %sign3A_111 : i32
    %sign3A_113 = arith.constant 0 : i32
    %sign3A_114 = arith.cmpi sgt, %jit3A_104, %sign3A_113 : i32
    %sign3A_115 = arith.extui %sign3A_114 : i1 to i32
    %sign3A_116 = arith.constant 0 : i32
    %sign3A_117 = arith.cmpi slt, %jit3A_104, %sign3A_116 : i32
    %sign3A_118 = arith.extui %sign3A_117 : i1 to i32
    %sign3A_119 = arith.subi %sign3A_115, %sign3A_118 : i32
    %ne3A_120 = arith.cmpi ne, %sign3A_112, %sign3A_119 : i32
    %rem3A_121 = arith.remsi %add3A_103, %jit3A_104 : i32
    %ne3A_122 = arith.constant 0 : i32
    %ne3A_123 = arith.cmpi ne, %rem3A_121, %ne3A_122 : i32
    %and3A_124 = arith.andi %ne3A_120, %ne3A_123 : i1
    %sub3A_125 = arith.constant 1 : i32
    %sub3A_126 = arith.subi %div3A_105, %sub3A_125 : i32
    %select_n3A_127 = arith.select %and3A_124, %sub3A_126, %div3A_105 : i32
    %jit3A_128 = arith.constant 8 : i32
    %eq3A_129 = arith.constant 0 : i32
    %eq3A_130 = arith.cmpi eq, %jit3A_128, %eq3A_129 : i32
    %jit3A_131 = arith.constant 1 : i32
    %select_n3A_132 = arith.select %eq3A_130, %jit3A_131, %jit3A_128 : i32
    %rem3A_133 = arith.remsi %add3A_103, %select_n3A_132 : i32
    %ne3A_134 = arith.constant 0 : i32
    %ne3A_135 = arith.cmpi ne, %rem3A_133, %ne3A_134 : i32
    %lt3A_136 = arith.constant 0 : i32
    %lt3A_137 = arith.cmpi slt, %rem3A_133, %lt3A_136 : i32
    %lt3A_138 = arith.constant 0 : i32
    %lt3A_139 = arith.cmpi slt, %select_n3A_132, %lt3A_138 : i32
    %ne3A_140 = arith.xori %lt3A_137, %lt3A_139 : i1
    %and3A_141 = arith.andi %ne3A_140, %ne3A_135 : i1
    %add3A_142 = arith.addi %rem3A_133, %select_n3A_132 : i32
    %select_n3A_143 = arith.select %and3A_141, %add3A_142, %rem3A_133 : i32
    %mul3A_144 = arith.constant 128 : i32
    %mul3A_145 = arith.muli %select_n3A_143, %mul3A_144 : i32
    %dma_start3A_146 = arith.constant 256 : i32
    %dma_start3A_147 = tpu.memref_slice %arg5[%dma_start3A_146] : memref<640xi32, #tpu.memory_space<vmem>> -> memref<128xi32, #tpu.memory_space<vmem>>
    %dma_start3A_148 = tpu.memref_slice %arg3[%select_n3A_127, %mul3A_145] : memref<20x1024xi32, #tpu.memory_space<hbm>> -> memref<1x128xi32, #tpu.memory_space<hbm>>
    %dma_start3A_149 = tpu.memref_squeeze %dma_start3A_148 : memref<1x128xi32, #tpu.memory_space<hbm>> -> memref<128xi32, #tpu.memory_space<hbm>>
    %dma_start3A_150 = arith.constant 256 : i32
    %dma_start3A_151 = tpu.memref_slice %arg5[%dma_start3A_150] : memref<640xi32, #tpu.memory_space<vmem>> -> memref<128xi32, #tpu.memory_space<vmem>>
    %dma_start3A_152 = tpu.memref_slice %arg3[%select_n3A_127, %mul3A_145] : memref<20x1024xi32, #tpu.memory_space<hbm>> -> memref<1x128xi32, #tpu.memory_space<hbm>>
    %dma_start3A_153 = tpu.memref_squeeze %dma_start3A_152 : memref<1x128xi32, #tpu.memory_space<hbm>> -> memref<128xi32, #tpu.memory_space<hbm>>
    tpu.enqueue_dma source(%dma_start3A_153 : memref<128xi32, #tpu.memory_space<hbm>>) target(%dma_start3A_151 : memref<128xi32, #tpu.memory_space<vmem>>) target_semaphore(%arg8 : memref<!tpu.dma_semaphore, #tpu.memory_space<semaphore_mem>>)
    %mul3A_154 = arith.constant 5 : i32
    %mul3A_155 = arith.muli %add3A, %mul3A_154 : i32
    %add3A_156 = arith.constant 3 : i32
    %add3A_157 = arith.addi %mul3A_155, %add3A_156 : i32
    %jit3A_158 = arith.constant 8 : i32
    %div3A_159 = arith.divsi %add3A_157, %jit3A_158 : i32
    %sign3A_160 = arith.constant 0 : i32
    %sign3A_161 = arith.cmpi sgt, %add3A_157, %sign3A_160 : i32
    %sign3A_162 = arith.extui %sign3A_161 : i1 to i32
    %sign3A_163 = arith.constant 0 : i32
    %sign3A_164 = arith.cmpi slt, %add3A_157, %sign3A_163 : i32
    %sign3A_165 = arith.extui %sign3A_164 : i1 to i32
    %sign3A_166 = arith.subi %sign3A_162, %sign3A_165 : i32
    %sign3A_167 = arith.constant 0 : i32
    %sign3A_168 = arith.cmpi sgt, %jit3A_158, %sign3A_167 : i32
    %sign3A_169 = arith.extui %sign3A_168 : i1 to i32
    %sign3A_170 = arith.constant 0 : i32
    %sign3A_171 = arith.cmpi slt, %jit3A_158, %sign3A_170 : i32
    %sign3A_172 = arith.extui %sign3A_171 : i1 to i32
    %sign3A_173 = arith.subi %sign3A_169, %sign3A_172 : i32
    %ne3A_174 = arith.cmpi ne, %sign3A_166, %sign3A_173 : i32
    %rem3A_175 = arith.remsi %add3A_157, %jit3A_158 : i32
    %ne3A_176 = arith.constant 0 : i32
    %ne3A_177 = arith.cmpi ne, %rem3A_175, %ne3A_176 : i32
    %and3A_178 = arith.andi %ne3A_174, %ne3A_177 : i1
    %sub3A_179 = arith.constant 1 : i32
    %sub3A_180 = arith.subi %div3A_159, %sub3A_179 : i32
    %select_n3A_181 = arith.select %and3A_178, %sub3A_180, %div3A_159 : i32
    %jit3A_182 = arith.constant 8 : i32
    %eq3A_183 = arith.constant 0 : i32
    %eq3A_184 = arith.cmpi eq, %jit3A_182, %eq3A_183 : i32
    %jit3A_185 = arith.constant 1 : i32
    %select_n3A_186 = arith.select %eq3A_184, %jit3A_185, %jit3A_182 : i32
    %rem3A_187 = arith.remsi %add3A_157, %select_n3A_186 : i32
    %ne3A_188 = arith.constant 0 : i32
    %ne3A_189 = arith.cmpi ne, %rem3A_187, %ne3A_188 : i32
    %lt3A_190 = arith.constant 0 : i32
    %lt3A_191 = arith.cmpi slt, %rem3A_187, %lt3A_190 : i32
    %lt3A_192 = arith.constant 0 : i32
    %lt3A_193 = arith.cmpi slt, %select_n3A_186, %lt3A_192 : i32
    %ne3A_194 = arith.xori %lt3A_191, %lt3A_193 : i1
    %and3A_195 = arith.andi %ne3A_194, %ne3A_189 : i1
    %add3A_196 = arith.addi %rem3A_187, %select_n3A_186 : i32
    %select_n3A_197 = arith.select %and3A_195, %add3A_196, %rem3A_187 : i32
    %mul3A_198 = arith.constant 128 : i32
    %mul3A_199 = arith.muli %select_n3A_197, %mul3A_198 : i32
    %dma_start3A_200 = arith.constant 384 : i32
    %dma_start3A_201 = tpu.memref_slice %arg5[%dma_start3A_200] : memref<640xi32, #tpu.memory_space<vmem>> -> memref<128xi32, #tpu.memory_space<vmem>>
    %dma_start3A_202 = tpu.memref_slice %arg3[%select_n3A_181, %mul3A_199] : memref<20x1024xi32, #tpu.memory_space<hbm>> -> memref<1x128xi32, #tpu.memory_space<hbm>>
    %dma_start3A_203 = tpu.memref_squeeze %dma_start3A_202 : memref<1x128xi32, #tpu.memory_space<hbm>> -> memref<128xi32, #tpu.memory_space<hbm>>
    %dma_start3A_204 = arith.constant 384 : i32
    %dma_start3A_205 = tpu.memref_slice %arg5[%dma_start3A_204] : memref<640xi32, #tpu.memory_space<vmem>> -> memref<128xi32, #tpu.memory_space<vmem>>
    %dma_start3A_206 = tpu.memref_slice %arg3[%select_n3A_181, %mul3A_199] : memref<20x1024xi32, #tpu.memory_space<hbm>> -> memref<1x128xi32, #tpu.memory_space<hbm>>
    %dma_start3A_207 = tpu.memref_squeeze %dma_start3A_206 : memref<1x128xi32, #tpu.memory_space<hbm>> -> memref<128xi32, #tpu.memory_space<hbm>>
    tpu.enqueue_dma source(%dma_start3A_207 : memref<128xi32, #tpu.memory_space<hbm>>) target(%dma_start3A_205 : memref<128xi32, #tpu.memory_space<vmem>>) target_semaphore(%arg8 : memref<!tpu.dma_semaphore, #tpu.memory_space<semaphore_mem>>)
    %mul3A_208 = arith.constant 5 : i32
    %mul3A_209 = arith.muli %add3A, %mul3A_208 : i32
    %add3A_210 = arith.constant 4 : i32
    %add3A_211 = arith.addi %mul3A_209, %add3A_210 : i32
    %jit3A_212 = arith.constant 8 : i32
    %div3A_213 = arith.divsi %add3A_211, %jit3A_212 : i32
    %sign3A_214 = arith.constant 0 : i32
    %sign3A_215 = arith.cmpi sgt, %add3A_211, %sign3A_214 : i32
    %sign3A_216 = arith.extui %sign3A_215 : i1 to i32
    %sign3A_217 = arith.constant 0 : i32
    %sign3A_218 = arith.cmpi slt, %add3A_211, %sign3A_217 : i32
    %sign3A_219 = arith.extui %sign3A_218 : i1 to i32
    %sign3A_220 = arith.subi %sign3A_216, %sign3A_219 : i32
    %sign3A_221 = arith.constant 0 : i32
    %sign3A_222 = arith.cmpi sgt, %jit3A_212, %sign3A_221 : i32
    %sign3A_223 = arith.extui %sign3A_222 : i1 to i32
    %sign3A_224 = arith.constant 0 : i32
    %sign3A_225 = arith.cmpi slt, %jit3A_212, %sign3A_224 : i32
    %sign3A_226 = arith.extui %sign3A_225 : i1 to i32
    %sign3A_227 = arith.subi %sign3A_223, %sign3A_226 : i32
    %ne3A_228 = arith.cmpi ne, %sign3A_220, %sign3A_227 : i32
    %rem3A_229 = arith.remsi %add3A_211, %jit3A_212 : i32
    %ne3A_230 = arith.constant 0 : i32
    %ne3A_231 = arith.cmpi ne, %rem3A_229, %ne3A_230 : i32
    %and3A_232 = arith.andi %ne3A_228, %ne3A_231 : i1
    %sub3A_233 = arith.constant 1 : i32
    %sub3A_234 = arith.subi %div3A_213, %sub3A_233 : i32
    %select_n3A_235 = arith.select %and3A_232, %sub3A_234, %div3A_213 : i32
    %jit3A_236 = arith.constant 8 : i32
    %eq3A_237 = arith.constant 0 : i32
    %eq3A_238 = arith.cmpi eq, %jit3A_236, %eq3A_237 : i32
    %jit3A_239 = arith.constant 1 : i32
    %select_n3A_240 = arith.select %eq3A_238, %jit3A_239, %jit3A_236 : i32
    %rem3A_241 = arith.remsi %add3A_211, %select_n3A_240 : i32
    %ne3A_242 = arith.constant 0 : i32
    %ne3A_243 = arith.cmpi ne, %rem3A_241, %ne3A_242 : i32
    %lt3A_244 = arith.constant 0 : i32
    %lt3A_245 = arith.cmpi slt, %rem3A_241, %lt3A_244 : i32
    %lt3A_246 = arith.constant 0 : i32
    %lt3A_247 = arith.cmpi slt, %select_n3A_240, %lt3A_246 : i32
    %ne3A_248 = arith.xori %lt3A_245, %lt3A_247 : i1
    %and3A_249 = arith.andi %ne3A_248, %ne3A_243 : i1
    %add3A_250 = arith.addi %rem3A_241, %select_n3A_240 : i32
    %select_n3A_251 = arith.select %and3A_249, %add3A_250, %rem3A_241 : i32
    %mul3A_252 = arith.constant 128 : i32
    %mul3A_253 = arith.muli %select_n3A_251, %mul3A_252 : i32
    %dma_start3A_254 = arith.constant 512 : i32
    %dma_start3A_255 = tpu.memref_slice %arg5[%dma_start3A_254] : memref<640xi32, #tpu.memory_space<vmem>> -> memref<128xi32, #tpu.memory_space<vmem>>
    %dma_start3A_256 = tpu.memref_slice %arg3[%select_n3A_235, %mul3A_253] : memref<20x1024xi32, #tpu.memory_space<hbm>> -> memref<1x128xi32, #tpu.memory_space<hbm>>
    %dma_start3A_257 = tpu.memref_squeeze %dma_start3A_256 : memref<1x128xi32, #tpu.memory_space<hbm>> -> memref<128xi32, #tpu.memory_space<hbm>>
    %dma_start3A_258 = arith.constant 512 : i32
    %dma_start3A_259 = tpu.memref_slice %arg5[%dma_start3A_258] : memref<640xi32, #tpu.memory_space<vmem>> -> memref<128xi32, #tpu.memory_space<vmem>>
    %dma_start3A_260 = tpu.memref_slice %arg3[%select_n3A_235, %mul3A_253] : memref<20x1024xi32, #tpu.memory_space<hbm>> -> memref<1x128xi32, #tpu.memory_space<hbm>>
    %dma_start3A_261 = tpu.memref_squeeze %dma_start3A_260 : memref<1x128xi32, #tpu.memory_space<hbm>> -> memref<128xi32, #tpu.memory_space<hbm>>
    tpu.enqueue_dma source(%dma_start3A_261 : memref<128xi32, #tpu.memory_space<hbm>>) target(%dma_start3A_259 : memref<128xi32, #tpu.memory_space<vmem>>) target_semaphore(%arg8 : memref<!tpu.dma_semaphore, #tpu.memory_space<semaphore_mem>>)
    %lt3A_262 = arith.constant 5 : i32
    %lt3A_263 = arith.cmpi slt, %arg1, %lt3A_262 : i32
    %convert_element_type3A = arith.extui %lt3A_263 : i1 to i32
    %cond3A = arith.constant 0 : i32
    %cond3A_264 = arith.cmpi ne, %convert_element_type3A, %cond3A : i32
    scf.if %cond3A_264 {
      %mul3A_494 = arith.constant 200 : i32
      %mul3A_495 = arith.muli %arg1, %mul3A_494 : i32
      %mul3A_496 = arith.constant 200 : i32
      %mul3A_497 = arith.muli %arg1, %mul3A_496 : i32
      "tpu.region"() ({
        %run_scoped3A = tpu.sem_alloc : memref<!tpu.dma_semaphore, #tpu.memory_space<semaphore_mem>>
        %dma_start3A_498 = arith.constant 0 : i32
        %dma_start3A_499 = tpu.memref_slice %arg7[%mul3A_497, %dma_start3A_498] : memref<1000x128xf32, #tpu.memory_space<vmem_shared>> -> memref<200x128xf32, #tpu.memory_space<vmem_shared>>
        %dma_start3A_500 = arith.constant 0 : i32
        %dma_start3A_501 = tpu.memref_slice %arg2[%mul3A_495, %dma_start3A_500] : memref<1000x128xf32, #tpu.memory_space<hbm>> -> memref<200x128xf32, #tpu.memory_space<hbm>>
        tpu.enqueue_dma source(%dma_start3A_501 : memref<200x128xf32, #tpu.memory_space<hbm>>) target(%dma_start3A_499 : memref<200x128xf32, #tpu.memory_space<vmem_shared>>) target_semaphore(%run_scoped3A : memref<!tpu.dma_semaphore, #tpu.memory_space<semaphore_mem>>)
        %dma_wait3A_502 = arith.constant 0 : i32
        %dma_wait3A_503 = tpu.memref_slice %arg7[%mul3A_497, %dma_wait3A_502] : memref<1000x128xf32, #tpu.memory_space<vmem_shared>> -> memref<200x128xf32, #tpu.memory_space<vmem_shared>>
        %dma_wait3A_504 = arith.constant 0 : i32
        %dma_wait3A_505 = tpu.memref_slice %arg2[%mul3A_495, %dma_wait3A_504] : memref<1000x128xf32, #tpu.memory_space<hbm>> -> memref<200x128xf32, #tpu.memory_space<hbm>>
        tpu.wait_dma2 semaphore(%run_scoped3A : memref<!tpu.dma_semaphore, #tpu.memory_space<semaphore_mem>>) src(%dma_wait3A_505 : memref<200x128xf32, #tpu.memory_space<hbm>>) dst(%dma_wait3A_503 : memref<200x128xf32, #tpu.memory_space<vmem_shared>>)
        tpu.yield
      }) : () -> ()
    } else {
    }
    %barrier3A = arith.constant 0 : index
    tpu.barrier barrier_id(%barrier3A)
    %dma_wait3A = arith.constant 0 : i32
    %dma_wait3A_265 = tpu.memref_slice %arg5[%dma_wait3A] : memref<640xi32, #tpu.memory_space<vmem>> -> memref<128xi32, #tpu.memory_space<vmem>>
    %dma_wait3A_266 = tpu.memref_slice %arg3[%select_n3A, %mul3A_38] : memref<20x1024xi32, #tpu.memory_space<hbm>> -> memref<1x128xi32, #tpu.memory_space<hbm>>
    %dma_wait3A_267 = tpu.memref_squeeze %dma_wait3A_266 : memref<1x128xi32, #tpu.memory_space<hbm>> -> memref<128xi32, #tpu.memory_space<hbm>>
    %dma_wait3A_268 = arith.constant 0 : i32
    %dma_wait3A_269 = tpu.memref_slice %arg5[%dma_wait3A_268] : memref<640xi32, #tpu.memory_space<vmem>> -> memref<128xi32, #tpu.memory_space<vmem>>
    %dma_wait3A_270 = tpu.memref_slice %arg3[%select_n3A, %mul3A_38] : memref<20x1024xi32, #tpu.memory_space<hbm>> -> memref<1x128xi32, #tpu.memory_space<hbm>>
    %dma_wait3A_271 = tpu.memref_squeeze %dma_wait3A_270 : memref<1x128xi32, #tpu.memory_space<hbm>> -> memref<128xi32, #tpu.memory_space<hbm>>
    tpu.wait_dma2 semaphore(%arg8 : memref<!tpu.dma_semaphore, #tpu.memory_space<semaphore_mem>>) src(%dma_wait3A_271 : memref<128xi32, #tpu.memory_space<hbm>>) dst(%dma_wait3A_269 : memref<128xi32, #tpu.memory_space<vmem>>)
    %dma_start3A_272 = arith.constant 0 : i32
    %dma_start3A_273 = arith.constant 0 : i32
    %dma_start3A_274 = tpu.memref_slice %arg6[%dma_start3A_272, %dma_start3A_273] : memref<640x128xf32, #tpu.memory_space<vmem>> -> memref<128x128xf32, #tpu.memory_space<vmem>>
    %dma_start3A_275 = arith.constant 0 : i32
    %dma_start3A_276 = tpu.memref_slice %arg5[%dma_start3A_275] : memref<640xi32, #tpu.memory_space<vmem>> -> memref<128xi32, #tpu.memory_space<vmem>>
    %dma_start3A_277 = arith.constant 0 : i32
    %dma_start3A_278 = arith.constant 0 : i32
    %dma_start3A_279 = tpu.memref_slice %arg7[%dma_start3A_277, %dma_start3A_278] : memref<1000x128xf32, #tpu.memory_space<vmem_shared>> -> memref<1000x128xf32, #tpu.memory_space<vmem_shared>>
    tpu.enqueue_indirect_dma source(%dma_start3A_279 : memref<1000x128xf32, #tpu.memory_space<vmem_shared>>) target(%dma_start3A_274 : memref<128x128xf32, #tpu.memory_space<vmem>>) offsets(%dma_start3A_276 : memref<128xi32, #tpu.memory_space<vmem>>) semaphore(%arg9 : memref<!tpu.dma_semaphore, #tpu.memory_space<semaphore_mem>>)
    %dma_wait3A_280 = arith.constant 128 : i32
    %dma_wait3A_281 = tpu.memref_slice %arg5[%dma_wait3A_280] : memref<640xi32, #tpu.memory_space<vmem>> -> memref<128xi32, #tpu.memory_space<vmem>>
    %dma_wait3A_282 = tpu.memref_slice %arg3[%select_n3A_73, %mul3A_91] : memref<20x1024xi32, #tpu.memory_space<hbm>> -> memref<1x128xi32, #tpu.memory_space<hbm>>
    %dma_wait3A_283 = tpu.memref_squeeze %dma_wait3A_282 : memref<1x128xi32, #tpu.memory_space<hbm>> -> memref<128xi32, #tpu.memory_space<hbm>>
    %dma_wait3A_284 = arith.constant 128 : i32
    %dma_wait3A_285 = tpu.memref_slice %arg5[%dma_wait3A_284] : memref<640xi32, #tpu.memory_space<vmem>> -> memref<128xi32, #tpu.memory_space<vmem>>
    %dma_wait3A_286 = tpu.memref_slice %arg3[%select_n3A_73, %mul3A_91] : memref<20x1024xi32, #tpu.memory_space<hbm>> -> memref<1x128xi32, #tpu.memory_space<hbm>>
    %dma_wait3A_287 = tpu.memref_squeeze %dma_wait3A_286 : memref<1x128xi32, #tpu.memory_space<hbm>> -> memref<128xi32, #tpu.memory_space<hbm>>
    tpu.wait_dma2 semaphore(%arg8 : memref<!tpu.dma_semaphore, #tpu.memory_space<semaphore_mem>>) src(%dma_wait3A_287 : memref<128xi32, #tpu.memory_space<hbm>>) dst(%dma_wait3A_285 : memref<128xi32, #tpu.memory_space<vmem>>)
    %dma_start3A_288 = arith.constant 128 : i32
    %dma_start3A_289 = arith.constant 0 : i32
    %dma_start3A_290 = tpu.memref_slice %arg6[%dma_start3A_288, %dma_start3A_289] : memref<640x128xf32, #tpu.memory_space<vmem>> -> memref<128x128xf32, #tpu.memory_space<vmem>>
    %dma_start3A_291 = arith.constant 128 : i32
    %dma_start3A_292 = tpu.memref_slice %arg5[%dma_start3A_291] : memref<640xi32, #tpu.memory_space<vmem>> -> memref<128xi32, #tpu.memory_space<vmem>>
    %dma_start3A_293 = arith.constant 0 : i32
    %dma_start3A_294 = arith.constant 0 : i32
    %dma_start3A_295 = tpu.memref_slice %arg7[%dma_start3A_293, %dma_start3A_294] : memref<1000x128xf32, #tpu.memory_space<vmem_shared>> -> memref<1000x128xf32, #tpu.memory_space<vmem_shared>>
    tpu.enqueue_indirect_dma source(%dma_start3A_295 : memref<1000x128xf32, #tpu.memory_space<vmem_shared>>) target(%dma_start3A_290 : memref<128x128xf32, #tpu.memory_space<vmem>>) offsets(%dma_start3A_292 : memref<128xi32, #tpu.memory_space<vmem>>) semaphore(%arg9 : memref<!tpu.dma_semaphore, #tpu.memory_space<semaphore_mem>>)
    %dma_wait3A_296 = arith.constant 256 : i32
    %dma_wait3A_297 = tpu.memref_slice %arg5[%dma_wait3A_296] : memref<640xi32, #tpu.memory_space<vmem>> -> memref<128xi32, #tpu.memory_space<vmem>>
    %dma_wait3A_298 = tpu.memref_slice %arg3[%select_n3A_127, %mul3A_145] : memref<20x1024xi32, #tpu.memory_space<hbm>> -> memref<1x128xi32, #tpu.memory_space<hbm>>
    %dma_wait3A_299 = tpu.memref_squeeze %dma_wait3A_298 : memref<1x128xi32, #tpu.memory_space<hbm>> -> memref<128xi32, #tpu.memory_space<hbm>>
    %dma_wait3A_300 = arith.constant 256 : i32
    %dma_wait3A_301 = tpu.memref_slice %arg5[%dma_wait3A_300] : memref<640xi32, #tpu.memory_space<vmem>> -> memref<128xi32, #tpu.memory_space<vmem>>
    %dma_wait3A_302 = tpu.memref_slice %arg3[%select_n3A_127, %mul3A_145] : memref<20x1024xi32, #tpu.memory_space<hbm>> -> memref<1x128xi32, #tpu.memory_space<hbm>>
    %dma_wait3A_303 = tpu.memref_squeeze %dma_wait3A_302 : memref<1x128xi32, #tpu.memory_space<hbm>> -> memref<128xi32, #tpu.memory_space<hbm>>
    tpu.wait_dma2 semaphore(%arg8 : memref<!tpu.dma_semaphore, #tpu.memory_space<semaphore_mem>>) src(%dma_wait3A_303 : memref<128xi32, #tpu.memory_space<hbm>>) dst(%dma_wait3A_301 : memref<128xi32, #tpu.memory_space<vmem>>)
    %dma_start3A_304 = arith.constant 256 : i32
    %dma_start3A_305 = arith.constant 0 : i32
    %dma_start3A_306 = tpu.memref_slice %arg6[%dma_start3A_304, %dma_start3A_305] : memref<640x128xf32, #tpu.memory_space<vmem>> -> memref<128x128xf32, #tpu.memory_space<vmem>>
    %dma_start3A_307 = arith.constant 256 : i32
    %dma_start3A_308 = tpu.memref_slice %arg5[%dma_start3A_307] : memref<640xi32, #tpu.memory_space<vmem>> -> memref<128xi32, #tpu.memory_space<vmem>>
    %dma_start3A_309 = arith.constant 0 : i32
    %dma_start3A_310 = arith.constant 0 : i32
    %dma_start3A_311 = tpu.memref_slice %arg7[%dma_start3A_309, %dma_start3A_310] : memref<1000x128xf32, #tpu.memory_space<vmem_shared>> -> memref<1000x128xf32, #tpu.memory_space<vmem_shared>>
    tpu.enqueue_indirect_dma source(%dma_start3A_311 : memref<1000x128xf32, #tpu.memory_space<vmem_shared>>) target(%dma_start3A_306 : memref<128x128xf32, #tpu.memory_space<vmem>>) offsets(%dma_start3A_308 : memref<128xi32, #tpu.memory_space<vmem>>) semaphore(%arg9 : memref<!tpu.dma_semaphore, #tpu.memory_space<semaphore_mem>>)
    %dma_wait3A_312 = arith.constant 384 : i32
    %dma_wait3A_313 = tpu.memref_slice %arg5[%dma_wait3A_312] : memref<640xi32, #tpu.memory_space<vmem>> -> memref<128xi32, #tpu.memory_space<vmem>>
    %dma_wait3A_314 = tpu.memref_slice %arg3[%select_n3A_181, %mul3A_199] : memref<20x1024xi32, #tpu.memory_space<hbm>> -> memref<1x128xi32, #tpu.memory_space<hbm>>
    %dma_wait3A_315 = tpu.memref_squeeze %dma_wait3A_314 : memref<1x128xi32, #tpu.memory_space<hbm>> -> memref<128xi32, #tpu.memory_space<hbm>>
    %dma_wait3A_316 = arith.constant 384 : i32
    %dma_wait3A_317 = tpu.memref_slice %arg5[%dma_wait3A_316] : memref<640xi32, #tpu.memory_space<vmem>> -> memref<128xi32, #tpu.memory_space<vmem>>
    %dma_wait3A_318 = tpu.memref_slice %arg3[%select_n3A_181, %mul3A_199] : memref<20x1024xi32, #tpu.memory_space<hbm>> -> memref<1x128xi32, #tpu.memory_space<hbm>>
    %dma_wait3A_319 = tpu.memref_squeeze %dma_wait3A_318 : memref<1x128xi32, #tpu.memory_space<hbm>> -> memref<128xi32, #tpu.memory_space<hbm>>
    tpu.wait_dma2 semaphore(%arg8 : memref<!tpu.dma_semaphore, #tpu.memory_space<semaphore_mem>>) src(%dma_wait3A_319 : memref<128xi32, #tpu.memory_space<hbm>>) dst(%dma_wait3A_317 : memref<128xi32, #tpu.memory_space<vmem>>)
    %dma_start3A_320 = arith.constant 384 : i32
    %dma_start3A_321 = arith.constant 0 : i32
    %dma_start3A_322 = tpu.memref_slice %arg6[%dma_start3A_320, %dma_start3A_321] : memref<640x128xf32, #tpu.memory_space<vmem>> -> memref<128x128xf32, #tpu.memory_space<vmem>>
    %dma_start3A_323 = arith.constant 384 : i32
    %dma_start3A_324 = tpu.memref_slice %arg5[%dma_start3A_323] : memref<640xi32, #tpu.memory_space<vmem>> -> memref<128xi32, #tpu.memory_space<vmem>>
    %dma_start3A_325 = arith.constant 0 : i32
    %dma_start3A_326 = arith.constant 0 : i32
    %dma_start3A_327 = tpu.memref_slice %arg7[%dma_start3A_325, %dma_start3A_326] : memref<1000x128xf32, #tpu.memory_space<vmem_shared>> -> memref<1000x128xf32, #tpu.memory_space<vmem_shared>>
    tpu.enqueue_indirect_dma source(%dma_start3A_327 : memref<1000x128xf32, #tpu.memory_space<vmem_shared>>) target(%dma_start3A_322 : memref<128x128xf32, #tpu.memory_space<vmem>>) offsets(%dma_start3A_324 : memref<128xi32, #tpu.memory_space<vmem>>) semaphore(%arg9 : memref<!tpu.dma_semaphore, #tpu.memory_space<semaphore_mem>>)
    %dma_wait3A_328 = arith.constant 512 : i32
    %dma_wait3A_329 = tpu.memref_slice %arg5[%dma_wait3A_328] : memref<640xi32, #tpu.memory_space<vmem>> -> memref<128xi32, #tpu.memory_space<vmem>>
    %dma_wait3A_330 = tpu.memref_slice %arg3[%select_n3A_235, %mul3A_253] : memref<20x1024xi32, #tpu.memory_space<hbm>> -> memref<1x128xi32, #tpu.memory_space<hbm>>
    %dma_wait3A_331 = tpu.memref_squeeze %dma_wait3A_330 : memref<1x128xi32, #tpu.memory_space<hbm>> -> memref<128xi32, #tpu.memory_space<hbm>>
    %dma_wait3A_332 = arith.constant 512 : i32
    %dma_wait3A_333 = tpu.memref_slice %arg5[%dma_wait3A_332] : memref<640xi32, #tpu.memory_space<vmem>> -> memref<128xi32, #tpu.memory_space<vmem>>
    %dma_wait3A_334 = tpu.memref_slice %arg3[%select_n3A_235, %mul3A_253] : memref<20x1024xi32, #tpu.memory_space<hbm>> -> memref<1x128xi32, #tpu.memory_space<hbm>>
    %dma_wait3A_335 = tpu.memref_squeeze %dma_wait3A_334 : memref<1x128xi32, #tpu.memory_space<hbm>> -> memref<128xi32, #tpu.memory_space<hbm>>
    tpu.wait_dma2 semaphore(%arg8 : memref<!tpu.dma_semaphore, #tpu.memory_space<semaphore_mem>>) src(%dma_wait3A_335 : memref<128xi32, #tpu.memory_space<hbm>>) dst(%dma_wait3A_333 : memref<128xi32, #tpu.memory_space<vmem>>)
    %dma_start3A_336 = arith.constant 512 : i32
    %dma_start3A_337 = arith.constant 0 : i32
    %dma_start3A_338 = tpu.memref_slice %arg6[%dma_start3A_336, %dma_start3A_337] : memref<640x128xf32, #tpu.memory_space<vmem>> -> memref<128x128xf32, #tpu.memory_space<vmem>>
    %dma_start3A_339 = arith.constant 512 : i32
    %dma_start3A_340 = tpu.memref_slice %arg5[%dma_start3A_339] : memref<640xi32, #tpu.memory_space<vmem>> -> memref<128xi32, #tpu.memory_space<vmem>>
    %dma_start3A_341 = arith.constant 0 : i32
    %dma_start3A_342 = arith.constant 0 : i32
    %dma_start3A_343 = tpu.memref_slice %arg7[%dma_start3A_341, %dma_start3A_342] : memref<1000x128xf32, #tpu.memory_space<vmem_shared>> -> memref<1000x128xf32, #tpu.memory_space<vmem_shared>>
    tpu.enqueue_indirect_dma source(%dma_start3A_343 : memref<1000x128xf32, #tpu.memory_space<vmem_shared>>) target(%dma_start3A_338 : memref<128x128xf32, #tpu.memory_space<vmem>>) offsets(%dma_start3A_340 : memref<128xi32, #tpu.memory_space<vmem>>) semaphore(%arg9 : memref<!tpu.dma_semaphore, #tpu.memory_space<semaphore_mem>>)
    %dma_wait3A_344 = arith.constant 0 : i32
    %dma_wait3A_345 = arith.constant 0 : i32
    %dma_wait3A_346 = tpu.memref_slice %arg6[%dma_wait3A_344, %dma_wait3A_345] : memref<640x128xf32, #tpu.memory_space<vmem>> -> memref<128x128xf32, #tpu.memory_space<vmem>>
    %dma_wait3A_347 = arith.constant 0 : i32
    %dma_wait3A_348 = tpu.memref_slice %arg5[%dma_wait3A_347] : memref<640xi32, #tpu.memory_space<vmem>> -> memref<128xi32, #tpu.memory_space<vmem>>
    %dma_wait3A_349 = arith.constant 0 : i32
    %dma_wait3A_350 = arith.constant 0 : i32
    %dma_wait3A_351 = tpu.memref_slice %arg7[%dma_wait3A_349, %dma_wait3A_350] : memref<1000x128xf32, #tpu.memory_space<vmem_shared>> -> memref<1000x128xf32, #tpu.memory_space<vmem_shared>>
    tpu.wait_indirect_dma semaphore(%arg9 : memref<!tpu.dma_semaphore, #tpu.memory_space<semaphore_mem>>) src(%dma_wait3A_351 : memref<1000x128xf32, #tpu.memory_space<vmem_shared>>) dst(%dma_wait3A_346 : memref<128x128xf32, #tpu.memory_space<vmem>>)
    %add3A_352 = arith.constant 0 : i32
    %add3A_353 = arith.addi %mul3A_2, %add3A_352 : i32
    %dma_start3A_354 = arith.constant 0 : i32
    %dma_start3A_355 = arith.constant 0 : i32
    %dma_start3A_356 = tpu.memref_slice %arg6[%dma_start3A_354, %dma_start3A_355] : memref<640x128xf32, #tpu.memory_space<vmem>> -> memref<128x128xf32, #tpu.memory_space<vmem>>
    %dma_start3A_357 = arith.constant 0 : i32
    %dma_start3A_358 = tpu.memref_slice %arg4[%add3A_353, %dma_start3A_357] : memref<20480x128xf32, #tpu.memory_space<hbm>> -> memref<128x128xf32, #tpu.memory_space<hbm>>
    %dma_start3A_359 = arith.constant 0 : i32
    %dma_start3A_360 = tpu.memref_slice %arg4[%add3A_353, %dma_start3A_359] : memref<20480x128xf32, #tpu.memory_space<hbm>> -> memref<128x128xf32, #tpu.memory_space<hbm>>
    %dma_start3A_361 = arith.constant 0 : i32
    %dma_start3A_362 = arith.constant 0 : i32
    %dma_start3A_363 = tpu.memref_slice %arg6[%dma_start3A_361, %dma_start3A_362] : memref<640x128xf32, #tpu.memory_space<vmem>> -> memref<128x128xf32, #tpu.memory_space<vmem>>
    tpu.enqueue_dma source(%dma_start3A_363 : memref<128x128xf32, #tpu.memory_space<vmem>>) target(%dma_start3A_360 : memref<128x128xf32, #tpu.memory_space<hbm>>) target_semaphore(%arg8 : memref<!tpu.dma_semaphore, #tpu.memory_space<semaphore_mem>>)
    %dma_wait3A_364 = arith.constant 128 : i32
    %dma_wait3A_365 = arith.constant 0 : i32
    %dma_wait3A_366 = tpu.memref_slice %arg6[%dma_wait3A_364, %dma_wait3A_365] : memref<640x128xf32, #tpu.memory_space<vmem>> -> memref<128x128xf32, #tpu.memory_space<vmem>>
    %dma_wait3A_367 = arith.constant 128 : i32
    %dma_wait3A_368 = tpu.memref_slice %arg5[%dma_wait3A_367] : memref<640xi32, #tpu.memory_space<vmem>> -> memref<128xi32, #tpu.memory_space<vmem>>
    %dma_wait3A_369 = arith.constant 0 : i32
    %dma_wait3A_370 = arith.constant 0 : i32
    %dma_wait3A_371 = tpu.memref_slice %arg7[%dma_wait3A_369, %dma_wait3A_370] : memref<1000x128xf32, #tpu.memory_space<vmem_shared>> -> memref<1000x128xf32, #tpu.memory_space<vmem_shared>>
    tpu.wait_indirect_dma semaphore(%arg9 : memref<!tpu.dma_semaphore, #tpu.memory_space<semaphore_mem>>) src(%dma_wait3A_371 : memref<1000x128xf32, #tpu.memory_space<vmem_shared>>) dst(%dma_wait3A_366 : memref<128x128xf32, #tpu.memory_space<vmem>>)
    %add3A_372 = arith.constant 128 : i32
    %add3A_373 = arith.addi %mul3A_2, %add3A_372 : i32
    %dma_start3A_374 = arith.constant 128 : i32
    %dma_start3A_375 = arith.constant 0 : i32
    %dma_start3A_376 = tpu.memref_slice %arg6[%dma_start3A_374, %dma_start3A_375] : memref<640x128xf32, #tpu.memory_space<vmem>> -> memref<128x128xf32, #tpu.memory_space<vmem>>
    %dma_start3A_377 = arith.constant 0 : i32
    %dma_start3A_378 = tpu.memref_slice %arg4[%add3A_373, %dma_start3A_377] : memref<20480x128xf32, #tpu.memory_space<hbm>> -> memref<128x128xf32, #tpu.memory_space<hbm>>
    %dma_start3A_379 = arith.constant 0 : i32
    %dma_start3A_380 = tpu.memref_slice %arg4[%add3A_373, %dma_start3A_379] : memref<20480x128xf32, #tpu.memory_space<hbm>> -> memref<128x128xf32, #tpu.memory_space<hbm>>
    %dma_start3A_381 = arith.constant 128 : i32
    %dma_start3A_382 = arith.constant 0 : i32
    %dma_start3A_383 = tpu.memref_slice %arg6[%dma_start3A_381, %dma_start3A_382] : memref<640x128xf32, #tpu.memory_space<vmem>> -> memref<128x128xf32, #tpu.memory_space<vmem>>
    tpu.enqueue_dma source(%dma_start3A_383 : memref<128x128xf32, #tpu.memory_space<vmem>>) target(%dma_start3A_380 : memref<128x128xf32, #tpu.memory_space<hbm>>) target_semaphore(%arg8 : memref<!tpu.dma_semaphore, #tpu.memory_space<semaphore_mem>>)
    %dma_wait3A_384 = arith.constant 256 : i32
    %dma_wait3A_385 = arith.constant 0 : i32
    %dma_wait3A_386 = tpu.memref_slice %arg6[%dma_wait3A_384, %dma_wait3A_385] : memref<640x128xf32, #tpu.memory_space<vmem>> -> memref<128x128xf32, #tpu.memory_space<vmem>>
    %dma_wait3A_387 = arith.constant 256 : i32
    %dma_wait3A_388 = tpu.memref_slice %arg5[%dma_wait3A_387] : memref<640xi32, #tpu.memory_space<vmem>> -> memref<128xi32, #tpu.memory_space<vmem>>
    %dma_wait3A_389 = arith.constant 0 : i32
    %dma_wait3A_390 = arith.constant 0 : i32
    %dma_wait3A_391 = tpu.memref_slice %arg7[%dma_wait3A_389, %dma_wait3A_390] : memref<1000x128xf32, #tpu.memory_space<vmem_shared>> -> memref<1000x128xf32, #tpu.memory_space<vmem_shared>>
    tpu.wait_indirect_dma semaphore(%arg9 : memref<!tpu.dma_semaphore, #tpu.memory_space<semaphore_mem>>) src(%dma_wait3A_391 : memref<1000x128xf32, #tpu.memory_space<vmem_shared>>) dst(%dma_wait3A_386 : memref<128x128xf32, #tpu.memory_space<vmem>>)
    %add3A_392 = arith.constant 256 : i32
    %add3A_393 = arith.addi %mul3A_2, %add3A_392 : i32
    %dma_start3A_394 = arith.constant 256 : i32
    %dma_start3A_395 = arith.constant 0 : i32
    %dma_start3A_396 = tpu.memref_slice %arg6[%dma_start3A_394, %dma_start3A_395] : memref<640x128xf32, #tpu.memory_space<vmem>> -> memref<128x128xf32, #tpu.memory_space<vmem>>
    %dma_start3A_397 = arith.constant 0 : i32
    %dma_start3A_398 = tpu.memref_slice %arg4[%add3A_393, %dma_start3A_397] : memref<20480x128xf32, #tpu.memory_space<hbm>> -> memref<128x128xf32, #tpu.memory_space<hbm>>
    %dma_start3A_399 = arith.constant 0 : i32
    %dma_start3A_400 = tpu.memref_slice %arg4[%add3A_393, %dma_start3A_399] : memref<20480x128xf32, #tpu.memory_space<hbm>> -> memref<128x128xf32, #tpu.memory_space<hbm>>
    %dma_start3A_401 = arith.constant 256 : i32
    %dma_start3A_402 = arith.constant 0 : i32
    %dma_start3A_403 = tpu.memref_slice %arg6[%dma_start3A_401, %dma_start3A_402] : memref<640x128xf32, #tpu.memory_space<vmem>> -> memref<128x128xf32, #tpu.memory_space<vmem>>
    tpu.enqueue_dma source(%dma_start3A_403 : memref<128x128xf32, #tpu.memory_space<vmem>>) target(%dma_start3A_400 : memref<128x128xf32, #tpu.memory_space<hbm>>) target_semaphore(%arg8 : memref<!tpu.dma_semaphore, #tpu.memory_space<semaphore_mem>>)
    %dma_wait3A_404 = arith.constant 384 : i32
    %dma_wait3A_405 = arith.constant 0 : i32
    %dma_wait3A_406 = tpu.memref_slice %arg6[%dma_wait3A_404, %dma_wait3A_405] : memref<640x128xf32, #tpu.memory_space<vmem>> -> memref<128x128xf32, #tpu.memory_space<vmem>>
    %dma_wait3A_407 = arith.constant 384 : i32
    %dma_wait3A_408 = tpu.memref_slice %arg5[%dma_wait3A_407] : memref<640xi32, #tpu.memory_space<vmem>> -> memref<128xi32, #tpu.memory_space<vmem>>
    %dma_wait3A_409 = arith.constant 0 : i32
    %dma_wait3A_410 = arith.constant 0 : i32
    %dma_wait3A_411 = tpu.memref_slice %arg7[%dma_wait3A_409, %dma_wait3A_410] : memref<1000x128xf32, #tpu.memory_space<vmem_shared>> -> memref<1000x128xf32, #tpu.memory_space<vmem_shared>>
    tpu.wait_indirect_dma semaphore(%arg9 : memref<!tpu.dma_semaphore, #tpu.memory_space<semaphore_mem>>) src(%dma_wait3A_411 : memref<1000x128xf32, #tpu.memory_space<vmem_shared>>) dst(%dma_wait3A_406 : memref<128x128xf32, #tpu.memory_space<vmem>>)
    %add3A_412 = arith.constant 384 : i32
    %add3A_413 = arith.addi %mul3A_2, %add3A_412 : i32
    %dma_start3A_414 = arith.constant 384 : i32
    %dma_start3A_415 = arith.constant 0 : i32
    %dma_start3A_416 = tpu.memref_slice %arg6[%dma_start3A_414, %dma_start3A_415] : memref<640x128xf32, #tpu.memory_space<vmem>> -> memref<128x128xf32, #tpu.memory_space<vmem>>
    %dma_start3A_417 = arith.constant 0 : i32
    %dma_start3A_418 = tpu.memref_slice %arg4[%add3A_413, %dma_start3A_417] : memref<20480x128xf32, #tpu.memory_space<hbm>> -> memref<128x128xf32, #tpu.memory_space<hbm>>
    %dma_start3A_419 = arith.constant 0 : i32
    %dma_start3A_420 = tpu.memref_slice %arg4[%add3A_413, %dma_start3A_419] : memref<20480x128xf32, #tpu.memory_space<hbm>> -> memref<128x128xf32, #tpu.memory_space<hbm>>
    %dma_start3A_421 = arith.constant 384 : i32
    %dma_start3A_422 = arith.constant 0 : i32
    %dma_start3A_423 = tpu.memref_slice %arg6[%dma_start3A_421, %dma_start3A_422] : memref<640x128xf32, #tpu.memory_space<vmem>> -> memref<128x128xf32, #tpu.memory_space<vmem>>
    tpu.enqueue_dma source(%dma_start3A_423 : memref<128x128xf32, #tpu.memory_space<vmem>>) target(%dma_start3A_420 : memref<128x128xf32, #tpu.memory_space<hbm>>) target_semaphore(%arg8 : memref<!tpu.dma_semaphore, #tpu.memory_space<semaphore_mem>>)
    %dma_wait3A_424 = arith.constant 512 : i32
    %dma_wait3A_425 = arith.constant 0 : i32
    %dma_wait3A_426 = tpu.memref_slice %arg6[%dma_wait3A_424, %dma_wait3A_425] : memref<640x128xf32, #tpu.memory_space<vmem>> -> memref<128x128xf32, #tpu.memory_space<vmem>>
    %dma_wait3A_427 = arith.constant 512 : i32
    %dma_wait3A_428 = tpu.memref_slice %arg5[%dma_wait3A_427] : memref<640xi32, #tpu.memory_space<vmem>> -> memref<128xi32, #tpu.memory_space<vmem>>
    %dma_wait3A_429 = arith.constant 0 : i32
    %dma_wait3A_430 = arith.constant 0 : i32
    %dma_wait3A_431 = tpu.memref_slice %arg7[%dma_wait3A_429, %dma_wait3A_430] : memref<1000x128xf32, #tpu.memory_space<vmem_shared>> -> memref<1000x128xf32, #tpu.memory_space<vmem_shared>>
    tpu.wait_indirect_dma semaphore(%arg9 : memref<!tpu.dma_semaphore, #tpu.memory_space<semaphore_mem>>) src(%dma_wait3A_431 : memref<1000x128xf32, #tpu.memory_space<vmem_shared>>) dst(%dma_wait3A_426 : memref<128x128xf32, #tpu.memory_space<vmem>>)
    %add3A_432 = arith.constant 512 : i32
    %add3A_433 = arith.addi %mul3A_2, %add3A_432 : i32
    %dma_start3A_434 = arith.constant 512 : i32
    %dma_start3A_435 = arith.constant 0 : i32
    %dma_start3A_436 = tpu.memref_slice %arg6[%dma_start3A_434, %dma_start3A_435] : memref<640x128xf32, #tpu.memory_space<vmem>> -> memref<128x128xf32, #tpu.memory_space<vmem>>
    %dma_start3A_437 = arith.constant 0 : i32
    %dma_start3A_438 = tpu.memref_slice %arg4[%add3A_433, %dma_start3A_437] : memref<20480x128xf32, #tpu.memory_space<hbm>> -> memref<128x128xf32, #tpu.memory_space<hbm>>
    %dma_start3A_439 = arith.constant 0 : i32
    %dma_start3A_440 = tpu.memref_slice %arg4[%add3A_433, %dma_start3A_439] : memref<20480x128xf32, #tpu.memory_space<hbm>> -> memref<128x128xf32, #tpu.memory_space<hbm>>
    %dma_start3A_441 = arith.constant 512 : i32
    %dma_start3A_442 = arith.constant 0 : i32
    %dma_start3A_443 = tpu.memref_slice %arg6[%dma_start3A_441, %dma_start3A_442] : memref<640x128xf32, #tpu.memory_space<vmem>> -> memref<128x128xf32, #tpu.memory_space<vmem>>
    tpu.enqueue_dma source(%dma_start3A_443 : memref<128x128xf32, #tpu.memory_space<vmem>>) target(%dma_start3A_440 : memref<128x128xf32, #tpu.memory_space<hbm>>) target_semaphore(%arg8 : memref<!tpu.dma_semaphore, #tpu.memory_space<semaphore_mem>>)
    %dma_wait3A_444 = arith.constant 0 : i32
    %dma_wait3A_445 = arith.constant 0 : i32
    %dma_wait3A_446 = tpu.memref_slice %arg6[%dma_wait3A_444, %dma_wait3A_445] : memref<640x128xf32, #tpu.memory_space<vmem>> -> memref<128x128xf32, #tpu.memory_space<vmem>>
    %dma_wait3A_447 = arith.constant 0 : i32
    %dma_wait3A_448 = tpu.memref_slice %arg4[%add3A_353, %dma_wait3A_447] : memref<20480x128xf32, #tpu.memory_space<hbm>> -> memref<128x128xf32, #tpu.memory_space<hbm>>
    %dma_wait3A_449 = arith.constant 0 : i32
    %dma_wait3A_450 = tpu.memref_slice %arg4[%add3A_353, %dma_wait3A_449] : memref<20480x128xf32, #tpu.memory_space<hbm>> -> memref<128x128xf32, #tpu.memory_space<hbm>>
    %dma_wait3A_451 = arith.constant 0 : i32
    %dma_wait3A_452 = arith.constant 0 : i32
    %dma_wait3A_453 = tpu.memref_slice %arg6[%dma_wait3A_451, %dma_wait3A_452] : memref<640x128xf32, #tpu.memory_space<vmem>> -> memref<128x128xf32, #tpu.memory_space<vmem>>
    tpu.wait_dma2 semaphore(%arg8 : memref<!tpu.dma_semaphore, #tpu.memory_space<semaphore_mem>>) src(%dma_wait3A_453 : memref<128x128xf32, #tpu.memory_space<vmem>>) dst(%dma_wait3A_450 : memref<128x128xf32, #tpu.memory_space<hbm>>)
    %dma_wait3A_454 = arith.constant 128 : i32
    %dma_wait3A_455 = arith.constant 0 : i32
    %dma_wait3A_456 = tpu.memref_slice %arg6[%dma_wait3A_454, %dma_wait3A_455] : memref<640x128xf32, #tpu.memory_space<vmem>> -> memref<128x128xf32, #tpu.memory_space<vmem>>
    %dma_wait3A_457 = arith.constant 0 : i32
    %dma_wait3A_458 = tpu.memref_slice %arg4[%add3A_373, %dma_wait3A_457] : memref<20480x128xf32, #tpu.memory_space<hbm>> -> memref<128x128xf32, #tpu.memory_space<hbm>>
    %dma_wait3A_459 = arith.constant 0 : i32
    %dma_wait3A_460 = tpu.memref_slice %arg4[%add3A_373, %dma_wait3A_459] : memref<20480x128xf32, #tpu.memory_space<hbm>> -> memref<128x128xf32, #tpu.memory_space<hbm>>
    %dma_wait3A_461 = arith.constant 128 : i32
    %dma_wait3A_462 = arith.constant 0 : i32
    %dma_wait3A_463 = tpu.memref_slice %arg6[%dma_wait3A_461, %dma_wait3A_462] : memref<640x128xf32, #tpu.memory_space<vmem>> -> memref<128x128xf32, #tpu.memory_space<vmem>>
    tpu.wait_dma2 semaphore(%arg8 : memref<!tpu.dma_semaphore, #tpu.memory_space<semaphore_mem>>) src(%dma_wait3A_463 : memref<128x128xf32, #tpu.memory_space<vmem>>) dst(%dma_wait3A_460 : memref<128x128xf32, #tpu.memory_space<hbm>>)
    %dma_wait3A_464 = arith.constant 256 : i32
    %dma_wait3A_465 = arith.constant 0 : i32
    %dma_wait3A_466 = tpu.memref_slice %arg6[%dma_wait3A_464, %dma_wait3A_465] : memref<640x128xf32, #tpu.memory_space<vmem>> -> memref<128x128xf32, #tpu.memory_space<vmem>>
    %dma_wait3A_467 = arith.constant 0 : i32
    %dma_wait3A_468 = tpu.memref_slice %arg4[%add3A_393, %dma_wait3A_467] : memref<20480x128xf32, #tpu.memory_space<hbm>> -> memref<128x128xf32, #tpu.memory_space<hbm>>
    %dma_wait3A_469 = arith.constant 0 : i32
    %dma_wait3A_470 = tpu.memref_slice %arg4[%add3A_393, %dma_wait3A_469] : memref<20480x128xf32, #tpu.memory_space<hbm>> -> memref<128x128xf32, #tpu.memory_space<hbm>>
    %dma_wait3A_471 = arith.constant 256 : i32
    %dma_wait3A_472 = arith.constant 0 : i32
    %dma_wait3A_473 = tpu.memref_slice %arg6[%dma_wait3A_471, %dma_wait3A_472] : memref<640x128xf32, #tpu.memory_space<vmem>> -> memref<128x128xf32, #tpu.memory_space<vmem>>
    tpu.wait_dma2 semaphore(%arg8 : memref<!tpu.dma_semaphore, #tpu.memory_space<semaphore_mem>>) src(%dma_wait3A_473 : memref<128x128xf32, #tpu.memory_space<vmem>>) dst(%dma_wait3A_470 : memref<128x128xf32, #tpu.memory_space<hbm>>)
    %dma_wait3A_474 = arith.constant 384 : i32
    %dma_wait3A_475 = arith.constant 0 : i32
    %dma_wait3A_476 = tpu.memref_slice %arg6[%dma_wait3A_474, %dma_wait3A_475] : memref<640x128xf32, #tpu.memory_space<vmem>> -> memref<128x128xf32, #tpu.memory_space<vmem>>
    %dma_wait3A_477 = arith.constant 0 : i32
    %dma_wait3A_478 = tpu.memref_slice %arg4[%add3A_413, %dma_wait3A_477] : memref<20480x128xf32, #tpu.memory_space<hbm>> -> memref<128x128xf32, #tpu.memory_space<hbm>>
    %dma_wait3A_479 = arith.constant 0 : i32
    %dma_wait3A_480 = tpu.memref_slice %arg4[%add3A_413, %dma_wait3A_479] : memref<20480x128xf32, #tpu.memory_space<hbm>> -> memref<128x128xf32, #tpu.memory_space<hbm>>
    %dma_wait3A_481 = arith.constant 384 : i32
    %dma_wait3A_482 = arith.constant 0 : i32
    %dma_wait3A_483 = tpu.memref_slice %arg6[%dma_wait3A_481, %dma_wait3A_482] : memref<640x128xf32, #tpu.memory_space<vmem>> -> memref<128x128xf32, #tpu.memory_space<vmem>>
    tpu.wait_dma2 semaphore(%arg8 : memref<!tpu.dma_semaphore, #tpu.memory_space<semaphore_mem>>) src(%dma_wait3A_483 : memref<128x128xf32, #tpu.memory_space<vmem>>) dst(%dma_wait3A_480 : memref<128x128xf32, #tpu.memory_space<hbm>>)
    %dma_wait3A_484 = arith.constant 512 : i32
    %dma_wait3A_485 = arith.constant 0 : i32
    %dma_wait3A_486 = tpu.memref_slice %arg6[%dma_wait3A_484, %dma_wait3A_485] : memref<640x128xf32, #tpu.memory_space<vmem>> -> memref<128x128xf32, #tpu.memory_space<vmem>>
    %dma_wait3A_487 = arith.constant 0 : i32
    %dma_wait3A_488 = tpu.memref_slice %arg4[%add3A_433, %dma_wait3A_487] : memref<20480x128xf32, #tpu.memory_space<hbm>> -> memref<128x128xf32, #tpu.memory_space<hbm>>
    %dma_wait3A_489 = arith.constant 0 : i32
    %dma_wait3A_490 = tpu.memref_slice %arg4[%add3A_433, %dma_wait3A_489] : memref<20480x128xf32, #tpu.memory_space<hbm>> -> memref<128x128xf32, #tpu.memory_space<hbm>>
    %dma_wait3A_491 = arith.constant 512 : i32
    %dma_wait3A_492 = arith.constant 0 : i32
    %dma_wait3A_493 = tpu.memref_slice %arg6[%dma_wait3A_491, %dma_wait3A_492] : memref<640x128xf32, #tpu.memory_space<vmem>> -> memref<128x128xf32, #tpu.memory_space<vmem>>
    tpu.wait_dma2 semaphore(%arg8 : memref<!tpu.dma_semaphore, #tpu.memory_space<semaphore_mem>>) src(%dma_wait3A_493 : memref<128x128xf32, #tpu.memory_space<vmem>>) dst(%dma_wait3A_490 : memref<128x128xf32, #tpu.memory_space<hbm>>)
    return
  }
}

module attributes {stable_mosaic.version = 14 : i64} {
  func.func @_matmul_body(%arg0: i32, %arg1: memref<20x256x128xf32, #tpu.memory_space<vmem>>, %arg2: memref<1000x2560xf32, #tpu.memory_space<vmem>>, %arg3: memref<1000x1xf32, #tpu.memory_space<vmem>>, %arg4: memref<1000x256xf32, #tpu.memory_space<vmem>>) attributes {dimension_semantics = [#tpu.dimension_semantics<arbitrary>], iteration_bounds = array<i64: 4>, scalar_prefetch = 0 : i64, scratch_operands = 0 : i64, tpu.core_type = #tpu.core_type<tc>, window_params = [{transform_indices = @transform_0, window_bounds = array<i64: 20, 256, 128>}, {pipeline_mode = #tpu.pipeline_mode<synchronous>, transform_indices = @transform_1, window_bounds = array<i64: 1000, 2560>}, {pipeline_mode = #tpu.pipeline_mode<synchronous>, transform_indices = @transform_2, window_bounds = array<i64: 1000, 1>}, {transform_indices = @transform_3, window_bounds = array<i64: 1000, 256>}]} {
    %get3A = arith.constant 0 : index
    %get3A_0 = arith.constant 0 : index
    %get3A_1 = arith.constant 0 : index
    %get3A_2 = vector.load %arg1[%get3A, %get3A_0, %get3A_1] : memref<20x256x128xf32, #tpu.memory_space<vmem>>, vector<1x256x128xf32>
    %get3A_3 = vector.shape_cast %get3A_2 : vector<1x256x128xf32> to vector<256x128xf32>
    %get3A_4 = arith.constant 1 : index
    %get3A_5 = arith.constant 0 : index
    %get3A_6 = arith.constant 0 : index
    %get3A_7 = vector.load %arg1[%get3A_4, %get3A_5, %get3A_6] : memref<20x256x128xf32, #tpu.memory_space<vmem>>, vector<1x256x128xf32>
    %get3A_8 = vector.shape_cast %get3A_7 : vector<1x256x128xf32> to vector<256x128xf32>
    %get3A_9 = arith.constant 2 : index
    %get3A_10 = arith.constant 0 : index
    %get3A_11 = arith.constant 0 : index
    %get3A_12 = vector.load %arg1[%get3A_9, %get3A_10, %get3A_11] : memref<20x256x128xf32, #tpu.memory_space<vmem>>, vector<1x256x128xf32>
    %get3A_13 = vector.shape_cast %get3A_12 : vector<1x256x128xf32> to vector<256x128xf32>
    %get3A_14 = arith.constant 3 : index
    %get3A_15 = arith.constant 0 : index
    %get3A_16 = arith.constant 0 : index
    %get3A_17 = vector.load %arg1[%get3A_14, %get3A_15, %get3A_16] : memref<20x256x128xf32, #tpu.memory_space<vmem>>, vector<1x256x128xf32>
    %get3A_18 = vector.shape_cast %get3A_17 : vector<1x256x128xf32> to vector<256x128xf32>
    %get3A_19 = arith.constant 4 : index
    %get3A_20 = arith.constant 0 : index
    %get3A_21 = arith.constant 0 : index
    %get3A_22 = vector.load %arg1[%get3A_19, %get3A_20, %get3A_21] : memref<20x256x128xf32, #tpu.memory_space<vmem>>, vector<1x256x128xf32>
    %get3A_23 = vector.shape_cast %get3A_22 : vector<1x256x128xf32> to vector<256x128xf32>
    %get3A_24 = arith.constant 5 : index
    %get3A_25 = arith.constant 0 : index
    %get3A_26 = arith.constant 0 : index
    %get3A_27 = vector.load %arg1[%get3A_24, %get3A_25, %get3A_26] : memref<20x256x128xf32, #tpu.memory_space<vmem>>, vector<1x256x128xf32>
    %get3A_28 = vector.shape_cast %get3A_27 : vector<1x256x128xf32> to vector<256x128xf32>
    %get3A_29 = arith.constant 6 : index
    %get3A_30 = arith.constant 0 : index
    %get3A_31 = arith.constant 0 : index
    %get3A_32 = vector.load %arg1[%get3A_29, %get3A_30, %get3A_31] : memref<20x256x128xf32, #tpu.memory_space<vmem>>, vector<1x256x128xf32>
    %get3A_33 = vector.shape_cast %get3A_32 : vector<1x256x128xf32> to vector<256x128xf32>
    %get3A_34 = arith.constant 7 : index
    %get3A_35 = arith.constant 0 : index
    %get3A_36 = arith.constant 0 : index
    %get3A_37 = vector.load %arg1[%get3A_34, %get3A_35, %get3A_36] : memref<20x256x128xf32, #tpu.memory_space<vmem>>, vector<1x256x128xf32>
    %get3A_38 = vector.shape_cast %get3A_37 : vector<1x256x128xf32> to vector<256x128xf32>
    %get3A_39 = arith.constant 8 : index
    %get3A_40 = arith.constant 0 : index
    %get3A_41 = arith.constant 0 : index
    %get3A_42 = vector.load %arg1[%get3A_39, %get3A_40, %get3A_41] : memref<20x256x128xf32, #tpu.memory_space<vmem>>, vector<1x256x128xf32>
    %get3A_43 = vector.shape_cast %get3A_42 : vector<1x256x128xf32> to vector<256x128xf32>
    %get3A_44 = arith.constant 9 : index
    %get3A_45 = arith.constant 0 : index
    %get3A_46 = arith.constant 0 : index
    %get3A_47 = vector.load %arg1[%get3A_44, %get3A_45, %get3A_46] : memref<20x256x128xf32, #tpu.memory_space<vmem>>, vector<1x256x128xf32>
    %get3A_48 = vector.shape_cast %get3A_47 : vector<1x256x128xf32> to vector<256x128xf32>
    %get3A_49 = arith.constant 10 : index
    %get3A_50 = arith.constant 0 : index
    %get3A_51 = arith.constant 0 : index
    %get3A_52 = vector.load %arg1[%get3A_49, %get3A_50, %get3A_51] : memref<20x256x128xf32, #tpu.memory_space<vmem>>, vector<1x256x128xf32>
    %get3A_53 = vector.shape_cast %get3A_52 : vector<1x256x128xf32> to vector<256x128xf32>
    %get3A_54 = arith.constant 11 : index
    %get3A_55 = arith.constant 0 : index
    %get3A_56 = arith.constant 0 : index
    %get3A_57 = vector.load %arg1[%get3A_54, %get3A_55, %get3A_56] : memref<20x256x128xf32, #tpu.memory_space<vmem>>, vector<1x256x128xf32>
    %get3A_58 = vector.shape_cast %get3A_57 : vector<1x256x128xf32> to vector<256x128xf32>
    %get3A_59 = arith.constant 12 : index
    %get3A_60 = arith.constant 0 : index
    %get3A_61 = arith.constant 0 : index
    %get3A_62 = vector.load %arg1[%get3A_59, %get3A_60, %get3A_61] : memref<20x256x128xf32, #tpu.memory_space<vmem>>, vector<1x256x128xf32>
    %get3A_63 = vector.shape_cast %get3A_62 : vector<1x256x128xf32> to vector<256x128xf32>
    %get3A_64 = arith.constant 13 : index
    %get3A_65 = arith.constant 0 : index
    %get3A_66 = arith.constant 0 : index
    %get3A_67 = vector.load %arg1[%get3A_64, %get3A_65, %get3A_66] : memref<20x256x128xf32, #tpu.memory_space<vmem>>, vector<1x256x128xf32>
    %get3A_68 = vector.shape_cast %get3A_67 : vector<1x256x128xf32> to vector<256x128xf32>
    %get3A_69 = arith.constant 14 : index
    %get3A_70 = arith.constant 0 : index
    %get3A_71 = arith.constant 0 : index
    %get3A_72 = vector.load %arg1[%get3A_69, %get3A_70, %get3A_71] : memref<20x256x128xf32, #tpu.memory_space<vmem>>, vector<1x256x128xf32>
    %get3A_73 = vector.shape_cast %get3A_72 : vector<1x256x128xf32> to vector<256x128xf32>
    %get3A_74 = arith.constant 15 : index
    %get3A_75 = arith.constant 0 : index
    %get3A_76 = arith.constant 0 : index
    %get3A_77 = vector.load %arg1[%get3A_74, %get3A_75, %get3A_76] : memref<20x256x128xf32, #tpu.memory_space<vmem>>, vector<1x256x128xf32>
    %get3A_78 = vector.shape_cast %get3A_77 : vector<1x256x128xf32> to vector<256x128xf32>
    %get3A_79 = arith.constant 16 : index
    %get3A_80 = arith.constant 0 : index
    %get3A_81 = arith.constant 0 : index
    %get3A_82 = vector.load %arg1[%get3A_79, %get3A_80, %get3A_81] : memref<20x256x128xf32, #tpu.memory_space<vmem>>, vector<1x256x128xf32>
    %get3A_83 = vector.shape_cast %get3A_82 : vector<1x256x128xf32> to vector<256x128xf32>
    %get3A_84 = arith.constant 17 : index
    %get3A_85 = arith.constant 0 : index
    %get3A_86 = arith.constant 0 : index
    %get3A_87 = vector.load %arg1[%get3A_84, %get3A_85, %get3A_86] : memref<20x256x128xf32, #tpu.memory_space<vmem>>, vector<1x256x128xf32>
    %get3A_88 = vector.shape_cast %get3A_87 : vector<1x256x128xf32> to vector<256x128xf32>
    %get3A_89 = arith.constant 18 : index
    %get3A_90 = arith.constant 0 : index
    %get3A_91 = arith.constant 0 : index
    %get3A_92 = vector.load %arg1[%get3A_89, %get3A_90, %get3A_91] : memref<20x256x128xf32, #tpu.memory_space<vmem>>, vector<1x256x128xf32>
    %get3A_93 = vector.shape_cast %get3A_92 : vector<1x256x128xf32> to vector<256x128xf32>
    %get3A_94 = arith.constant 19 : index
    %get3A_95 = arith.constant 0 : index
    %get3A_96 = arith.constant 0 : index
    %get3A_97 = vector.load %arg1[%get3A_94, %get3A_95, %get3A_96] : memref<20x256x128xf32, #tpu.memory_space<vmem>>, vector<1x256x128xf32>
    %get3A_98 = vector.shape_cast %get3A_97 : vector<1x256x128xf32> to vector<256x128xf32>
    %concatenate3A = tpu.concatenate %get3A_3, %get3A_8, %get3A_13, %get3A_18, %get3A_23, %get3A_28, %get3A_33, %get3A_38, %get3A_43, %get3A_48, %get3A_53, %get3A_58, %get3A_63, %get3A_68, %get3A_73, %get3A_78, %get3A_83, %get3A_88, %get3A_93, %get3A_98 in 1 : vector<256x128xf32>, vector<256x128xf32>, vector<256x128xf32>, vector<256x128xf32>, vector<256x128xf32>, vector<256x128xf32>, vector<256x128xf32>, vector<256x128xf32>, vector<256x128xf32>, vector<256x128xf32>, vector<256x128xf32>, vector<256x128xf32>, vector<256x128xf32>, vector<256x128xf32>, vector<256x128xf32>, vector<256x128xf32>, vector<256x128xf32>, vector<256x128xf32>, vector<256x128xf32>, vector<256x128xf32> -> vector<256x2560xf32>
    %get3A_99 = arith.constant 0 : index
    %get3A_100 = arith.constant 0 : index
    %get3A_101 = vector.load %arg2[%get3A_99, %get3A_100] : memref<1000x2560xf32, #tpu.memory_space<vmem>>, vector<1000x2560xf32>
    %dot_general3A = arith.constant dense<0.000000e+00> : vector<1000x256xf32>
    %dot_general3A_102 = tpu.matmul %get3A_101, %concatenate3A, %dot_general3A {dimension_numbers = #tpu.dot_dimension_numbers<[1], [1], [0], [0], [0, 0, 1, 0], [], []>, transpose_lhs_hint = false} : vector<1000x2560xf32>, vector<256x2560xf32>, vector<1000x256xf32> -> vector<1000x256xf32>
    %get3A_103 = arith.constant 0 : index
    %get3A_104 = arith.constant 0 : index
    %get3A_105 = vector.load %arg3[%get3A_103, %get3A_104] : memref<1000x1xf32, #tpu.memory_space<vmem>>, vector<1000x1xf32>
    %add3A = vector.broadcast %get3A_105 : vector<1000x1xf32> to vector<1000x256xf32>
    %add3A_106 = arith.addf %dot_general3A_102, %add3A : vector<1000x256xf32>
    %swap3A = arith.constant 0 : index
    %swap3A_107 = arith.constant 0 : index
    %swap3A_108 = vector.load %arg4[%swap3A, %swap3A_107] : memref<1000x256xf32, #tpu.memory_space<vmem>>, vector<1000x256xf32>
    tpu.vector_store %arg4[%swap3A, %swap3A_107], %add3A_106 {strides = array<i32>} : memref<1000x256xf32, #tpu.memory_space<vmem>>, vector<1000x256xf32>,
    return
  }
  func.func @transform_0(%arg0: i32) -> (i32, i32, i32) {
    %c0_i32 = arith.constant 0 : i32
    %c0_i32_0 = arith.constant 0 : i32
    %c0_i32_1 = arith.constant 0 : i32
    return %c0_i32, %arg0, %c0_i32_0 : i32, i32, i32
  }
  func.func @transform_1(%arg0: i32) -> (i32, i32) {
    %c0_i32 = arith.constant 0 : i32
    %c0_i32_0 = arith.constant 0 : i32
    %c0_i32_1 = arith.constant 0 : i32
    return %c0_i32, %c0_i32_0 : i32, i32
  }
  func.func @transform_2(%arg0: i32) -> (i32, i32) {
    %c0_i32 = arith.constant 0 : i32
    %c0_i32_0 = arith.constant 0 : i32
    %c0_i32_1 = arith.constant 0 : i32
    return %c0_i32, %c0_i32_0 : i32, i32
  }
  func.func @transform_3(%arg0: i32) -> (i32, i32) {
    %c0_i32 = arith.constant 0 : i32
    %c0_i32_0 = arith.constant 0 : i32
    return %c0_i32, %arg0 : i32, i32
  }
}

</mosaic_0001>

<sc_bundles>
// kernel: kernel.4.cloned.1.call-start
scs
__scs_entry_jumppad:
0x0: {  	(pc) =	sbr.rel $0x88, $3  }
0x1: {  	(tag) =	ssettag $0x0;
	lr =	simm.s32 $0x1  }
0x2: {  	[smem:$0x3F9D] =	sst lr;
	_ =	strace $0xD0000000  }
0x3: {  	_ = 	snop  }
0x4: {  	_ = 	snop  }
0x5: {  	_ = 	snop  }
0x6: {  	_ = 	snop  }
0x7: {  	_ = 	snop  }
__scs_overlays_trampoline_lowered:
0x8: {  	[smem:$0x3FAC] =	sst s0  }
0x9: {  	[smem:$0x3FAD] =	sst s1  }
0xa: {  	[smem:$0x3FAE] =	sst s2  }
0xb: {  	[smem:$0x3FAF] =	sst s3  }
0xc: {  	[smem:$0x3FB0] =	sst s4  }
0xd: {  	[smem:$0x3FB1] =	sst s5  }
0xe: {  	[smem:$0x3FB2] =	sst s6  }
0xf: {  	[smem:$0x3FB3] =	sst s7  }
0x10: {  	[smem:$0x3FB4] =	sst s8  }
0x11: {  	[smem:$0x3FB5] =	sst s9;
	s0 =	simm.s32 @!p0 $0x0  }
0x12: {  	s1 =	sld [smem:$0x3F9B];
	s0 =	simm.s32 @p0 $0x1  }
0x13: {  	[smem:$0x3FB6] =	sst s0;
	s0 =	simm.s32 @!p1 $0x0  }
0x14: {  	s2 =	sld [smem:$0x3F9A];
	s0 =	simm.s32 @p1 $0x1  }
0x15: {  	[smem:$0x3FB7] =	sst s0;
	s0 =	simm.s32 @!p2 $0x0  }
0x16: {  	s3 =	sld [smem:$0x3FDB];
	s0 =	simm.s32 @p2 $0x1  }
0x17: {  	s4 =	simm.s32 $0x1BF5;
	[smem:$0x3FB9] =	sst s0  }
0x18: {  	s0 =	sld [smem:$0x3F9C];
	_ =	swait.ge [sflag:s4], $0x0  }
0x19: {  	s7 =	sld [smem:$0x3F9D]  }
0x1a: {  	s8 =	sadd.s32 $0xFFFFE003, lr  }
0x1b: {  	s9 =	sadd.s32 $0xFFFFFEF7, lr;
	s5 =	simm.s32 $0xFFFFFFFF;
	p2 =	slt.u32 s8, $0xFFFFF086  }
0x1c: {  	p1 =	slt.u32 s9, $0xF7A;
	s5 =	simm.s32 @!p2 $0x0  }
0x1d: {  	s5 =	simm.s32 @p1 $0x1;
	p0 =	seq.s32 s7, s2  }
0x1e: {  	s7 =	smul.u32 @!p0 $0xF7A, s2;
	p2 =	seq.s32 @!p0 s5, $0x0  }
0x1f: {  	s9 =	smul.u32 $0xF7A, s1;
	s8 =	simm.s32 @!p0 $0x1BF5;
	p2 =	por !p2, p0  }
0x20: {  	[sflag:s8] =	ssyncset.s32 @!p0 $0xFFFFF086;
	s6 =	sadd.s32 @!p0 s3, s7;
	s7 =	simm.s32 @!p0 $0x108  }
0x21: {  	s3 =	sadd.s32 s3, s9;
	s6 =	sadd.s32 @!p0 $0x88, s6;
	s7 =	simm.s32 @p2 $0x1082  }
0x22: {  	[simem:s7], [sflag:s8] =	dma.local @!p0 [hbm:s6], $0xF7A  }
0x23: {  	s9 =	sor.u32 $0xD0000000, s2;
	s6 =	simm.s32 $0x108;
	_ =	swait.ge @!p0 [sflag:s8], $0x0  }
0x24: {  	s3 =	sadd.s32 $0x88, s3;
	s6 =	simm.s32 @!p1 $0x1082;
	[sflag:s4] =	ssyncset.s32 $0xFFFFF086  }
0x25: {  	[simem:s6], [sflag:s4] =	dma.local [hbm:s3], $0xF7A  }
0x26: {  	[smem:$0x3F9D] =	sst s1;
	(tag) =	ssettag s2;
	_ =	strace s9  }
0x27: {  	s1 =	sld [smem:$0x3FAD]  }
0x28: {  	s2 =	sld [smem:$0x3FAE]  }
0x29: {  	s4 =	sld [smem:$0x3FB0]  }
0x2a: {  	p0 =	seq.s32 s5, $0x0;
	s5 =	sld [smem:$0x3FB1]  }
0x2b: {  	s6 =	sld [smem:$0x3FB2]  }
0x2c: {  	s7 =	sld [smem:$0x3FB3]  }
0x2d: {  	s3 =	simm.s32 $0x108;
	s8 =	sld [smem:$0x3FB4]  }
0x2e: {  	s3 =	simm.s32 @!p0 $0x1082;
	s9 =	sld [smem:$0x3FB5]  }
0x2f: {  	lr =	sadd.s32 s0, s3;
	s0 =	sld [smem:$0x3FAC]  }
0x30: {  	s3 =	sld [smem:$0x3FAF]  }
0x31: {  	[smem:$0x3FB8] =	sst s10  }
0x32: {  	s10 =	sld [smem:$0x3FB6];
	_ =	sdelay $0x3  }
0x33: {  	p0 =	seq.s32 s10, $0x1;
	s10 =	sld [smem:$0x3FB8];
	_ =	sdelay $0x3  }
0x34: {  	[smem:$0x3FB8] =	sst s10  }
0x35: {  	s10 =	sld [smem:$0x3FB7];
	_ =	sdelay $0x3  }
0x36: {  	p1 =	seq.s32 s10, $0x1;
	s10 =	sld [smem:$0x3FB8];
	_ =	sdelay $0x3  }
0x37: {  	[smem:$0x3FB8] =	sst s10  }
0x38: {  	s10 =	sld [smem:$0x3FB9]  }
0x39: {  	_ = 	snop;
	(pc) =	sbr.ind lr, $3  }
0x3a: {  	_ = 	snop  }
0x3b: {  	_ = 	snop  }
0x3c: {  	p2 =	seq.s32 s10, $0x1;
	s10 =	sld [smem:$0x3FB8]  }
0x3d: {  	_ =	shalt  }
0x3e: {  	_ =	shalt  }
0x3f: {  	_ =	shalt  }
0x40: {  	_ =	shalt  }
0x41: {  	_ =	shalt  }
0x42: {  	_ =	shalt  }
0x43: {  	_ =	shalt  }
0x44: {  	_ =	shalt  }
0x45: {  	_ =	shalt  }
0x46: {  	_ =	shalt  }
0x47: {  	_ =	shalt  }
0x48: {  	_ =	shalt  }
0x49: {  	_ =	shalt  }
0x4a: {  	_ =	shalt  }
0x4b: {  	_ =	shalt  }
0x4c: {  	_ =	shalt  }
0x4d: {  	_ =	shalt  }
0x4e: {  	_ =	shalt  }
0x4f: {  	_ =	shalt  }
0x50: {  	_ =	shalt  }
0x51: {  	_ =	shalt  }
0x52: {  	_ =	shalt  }
0x53: {  	_ =	shalt  }
0x54: {  	_ =	shalt  }
0x55: {  	_ =	shalt  }
0x56: {  	_ =	shalt  }
0x57: {  	_ =	shalt  }
0x58: {  	_ =	shalt  }
0x59: {  	_ =	shalt  }
0x5a: {  	_ =	shalt  }
0x5b: {  	_ =	shalt  }
0x5c: {  	_ =	shalt  }
0x5d: {  	_ =	shalt  }
0x5e: {  	_ =	shalt  }
0x5f: {  	_ =	shalt  }
0x60: {  	_ =	shalt  }
0x61: {  	_ =	shalt  }
0x62: {  	_ =	shalt  }
0x63: {  	_ =	shalt  }
0x64: {  	_ =	shalt  }
0x65: {  	_ =	shalt  }
0x66: {  	_ =	shalt  }
0x67: {  	_ =	shalt  }
0x68: {  	_ =	shalt  }
0x69: {  	_ =	shalt  }
0x6a: {  	_ =	shalt  }
0x6b: {  	_ =	shalt  }
0x6c: {  	_ =	shalt  }
0x6d: {  	_ =	shalt  }
0x6e: {  	_ =	shalt  }
0x6f: {  	_ =	shalt  }
0x70: {  	_ =	shalt  }
0x71: {  	_ =	shalt  }
0x72: {  	_ =	shalt  }
0x73: {  	_ =	shalt  }
0x74: {  	_ =	shalt  }
0x75: {  	_ =	shalt  }
0x76: {  	_ =	shalt  }
0x77: {  	_ =	shalt  }
0x78: {  	_ =	shalt  }
0x79: {  	_ =	shalt  }
0x7a: {  	_ =	shalt  }
0x7b: {  	_ =	shalt  }
0x7c: {  	_ =	shalt  }
0x7d: {  	_ =	shalt  }
0x7e: {  	_ =	shalt  }
0x7f: {  	_ =	shalt  }
0x80: {  	_ =	shalt  }
0x81: {  	_ =	shalt  }
0x82: {  	_ =	shalt  }
0x83: {  	_ =	shalt  }
0x84: {  	_ =	shalt  }
0x85: {  	_ =	shalt  }
0x86: {  	_ =	shalt  }
0x87: {  	_ =	shalt  }
.Lfunc_end0:
.L_simem_size_0:
called_computation_lowered:
.L_overlay_start_0:
0x88: {  	s2 =	sld [smem:$0x3FD9]  }
0x89: {  	s3 =	sld [smem:$0x3FFE];
	_ =	sdelay $0x1  }
0x8a: {  	s1 =	srdreg.scid  }
0x8b: {  	s0 =	sand.u32 $0x1, s1  }
0x8c: {  	s17 =	sshll.u32 s0, $0xA;
	s2 =	sadd.s32 s3, s2  }
0x8d: {  	s2 =	sadd.s32 s2, s17  }
0x8e: {  	[smem:$0x3FC4] =	sst s2  }
0x8f: {  	_ = 	snop  }
0x90: {  	s2 =	sld [smem:$0x3FC9]  }
0x91: {  	s18 =	sld [smem:$0x3FC8];
	(tm) =	ssettm $0x1  }
0x92: {  	s4 =	sld [smem:$0x3FFB];
	_ =	sdelay $0x3  }
0x93: {  	_ =	strace s4  }
0x94: {  	s4 =	sld [smem:$0x3FFC];
	_ =	sdelay $0x3  }
0x95: {  	_ =	strace s4  }
0x96: {  	s4 =	sld [smem:$0x3FFD];
	_ =	sdelay $0x3  }
0x97: {  	_ =	strace s4  }
0x98: {  	_ =	strace $0x8FFFFFFF  }
0x99: {  	s19 =	sld [smem:$0x3FDB];
	_ =	sdelay $0x1  }
0x9a: {  	s5 =	simm.s32 $_scs_section_size  }
0x9b: {  	s6 =	simm.s32 $_size__tile_overlayer_lowered;
	s7 =	simm.s32 $_tile_overlayer_lowered  }
0x9c: {  	s22 =	simm.s32 $0x1BFF;
	s21 =	sshll.u32 s7, $0x1;
	s4 =	sadd.s32 s5, s19  }
0x9d: {  	s8 =	simm.s32 $0x0;
	s20 =	sshll.u32 s6, $0x1;
	s6 =	sadd.s32 s21, s4  }
0x9e: {  	[timem:s8], [sflag:s22] =	dma.local [hbm:s6], s20  }
0x9f: {  	_ =	swait.ge [sflag:s22], s20  }
0xa0: {  	s5 =	ssub.s32 $0x0, s20;
	[sflag:s22] =	ssyncset.done $0x0  }
0xa1: {  	[sflag:s22] =	ssyncadd.s32 s5;
	_ =	sdelay $0x1  }
0xa2: {  	s23 =	simm.s32 $0x1B8B  }
0xa3: {  	_ =	swait.ge [sflag:s23], $0x1  }
0xa4: {  	[sflag:s23] =	ssyncset.done $0x0  }
0xa5: {  	s25 =	simm.s32 $0x1B8E;
	s24 =	sld [smem:$0x3FFE];
	[sflag:s23] =	ssyncadd.s32 $0xFFFFFFFF  }
0xa6: {  	s26 =	simm.s32 $execute0_lowered;
	[smem:$0x3FD2] =	sst s25  }
0xa7: {  	s6 =	sshll.u32 s26, $0x1;
	_ =	strace $0x80000046;
	[dreg:$0x1] =	wrdreg $0xFFFFFFFF  }
0xa8: {  	s28 =	simm.s32 $_size_execute0_lowered;
	s4 =	sadd.s32 s4, s6;
	[dreg:$0x0] =	wrdreg $0x0  }
0xa9: {  	s6 =	sshll.u32 s28, $0x1;
	[dreg:$0x2] =	wrdreg s4  }
0xaa: {  	[dreg:$0x3] =	wrdreg s6  }
0xab: {  	[dreg:$0x4] =	wrdreg $0xC0  }
0xac: {  	_ =	task [dreg:s8], $0x5FFFF  }
0xad: {  	[dreg:$0x1] =	wrdreg $0xFFFFFFFF  }
0xae: {  	[dreg:$0x0] =	wrdreg $0x60  }
0xaf: {  	[dreg:$0x2] =	wrdreg s18  }
0xb0: {  	[dreg:$0x3] =	wrdreg s2  }
0xb1: {  	[dreg:$0x4] =	wrdreg s24  }
0xb2: {  	[dreg:$0x5] =	wrdreg $0x142800  }
0xb3: {  	[dreg:$0x6] =	wrdreg $0x9  }
0xb4: {  	_ =	task.clear_ibuf [dreg:s8], $0x7FFFF;
	_ =	strace $0x90000046  }
0xb5: {  	s29 =	simm.s32 $0x9;
	_ =	strace $0x80000048  }
0xb6: {  	_ =	swait.ge [sflag:s29], $0x1  }
0xb7: {  	[sflag:s29] =	ssyncadd.s32 $0xFFFFFFFF  }
0xb8: {  	_ =	strace $0x90000048  }
0xb9: {  	_ =	sfence  }
0xba: {  	s30 =	sld [smem:$0x0];
	_ =	sdelay $0x2  }
0xbb: {  	s31 =	sshll.u32 s1, $0xD;
	s1 =	sshrl.u32 s1, $0x2  }
0xbc: {  	s3 =	sand.u32 $0x4000, s31;
	s1 =	sadd.s32 s1, s30  }
0xbd: {  	s0 =	sor.u32 s3, s0;
	s1 =	sshll.u32 s1, $0x11  }
0xbe: {  	s0 =	sor.u32 s1, s0  }
0xbf: {  	s0 =	sadd.s32 $0x8F2B, s0  }
0xc0: {  	[sflag:s0] =	ssyncadd.remote.s32 $0x1  }
0xc1: {  	_ =	sfence.sel $0xFFFF  }
0xc2: {  	[dreg:$0x0] =	wrdreg $0xFFFFFFFF;
	(pc) =	sbr.abs _section_cstart, $3  }
0xc3: {  	[dreg:$0x1] =	wrdreg $0xFFFFFFFF  }
0xc4: {  	_ =	task.clear_ibuf [dreg:s8], $0x2FFFF;
	_ =	strace $0x9FFFFFFF  }
0xc5: {  	(tm) =	ssettm $0x7FFFFFFF  }
tec
execute0_lowered:
.L_overlay_start_1:
0x0: {  	(tag) =	ssettag $0x1  }
0x1: {  	s1 =	srdreg.scid;
	s0 =	stileid.u32  }
0x2: {  	s29 =	sand.u32 $0x1, s1;
	s16 =	sshll.u32 s0, $0x1  }
0x3: {  	s11 =	rddreg [dreg:$0x0];
	s30 =	smul.u32 $0x19000, s0;
	s24 =	sor.u32 s29, s16  }
0x4: {  	s8 =	rddreg [dreg:$0x1];
	s7 =	smul.u32 $0x5, s24  }
0x5: {  	s23 =	rddreg [dreg:$0x2];
	s1 =	smul.u32 $0x1400, s24  }
0x6: {  	s31 =	smul.u32 $0xC80, s0;
	p0 =	sgt.u32 s0, $0x4;
	s2 =	sshll.u32 s7, $0x7  }
0x7: {  	s1 =	sand.u32 $0x1C00, s1;
	s4 =	sshll.u32 s7, $0x4;
	s17 =	sadd.s32 $0x1, s7  }
0x8: {  	s19 =	sadd.s32 $0x2, s7;
	s21 =	sadd.s32 $0x3, s7;
	s7 =	sadd.s32 $0x4, s7  }
0x9: {  	s3 =	sand.u32 $0x6000, s2;
	s2 =	rddreg [dreg:$0x3];
	s4 =	sand.u32 $0x380, s4  }
0xa: {  	s18 =	sshll.u32 s17, $0x4;
	s6 =	sshll.u32 s17, $0x7;
	s20 =	sshll.u32 s19, $0x4  }
0xb: {  	s9 =	sshll.u32 s19, $0x7;
	s10 =	sshll.u32 s21, $0x4;
	s12 =	sshll.u32 s21, $0x7  }
0xc: {  	s22 =	sshll.u32 s7, $0x4;
	s25 =	sshll.u32 s7, $0x7;
	s7 =	sshll.u32 s7, $0x1  }
0xd: {  	s5 =	sor.u32 s1, s3;
	s1 =	rddreg [dreg:$0x4];
	s3 =	simm.s32 $0x0  }
0xe: {  	s6 =	sand.u32 $0x380, s6;
	s9 =	sand.u32 $0x380, s9;
	s4 =	sor.u32 s4, s5  }
0xf: {  	s10 =	sand.u32 $0x1C00, s10;
	s12 =	sand.u32 $0x380, s12;
	s4 =	sshrl.u32 s4, $0x3  }
0x10: {  	[smem:$0x7FF] =	sst s3;
	s5 =	sand.u32 $0x1C00, s18;
	s4 =	sadd.s32 s8, s4  }
0x11: {  	_ =	strace $0x80000047;
	[dreg:$0x5] =	wrdreg s4;
	s4 =	sshll.u32 s17, $0x1  }
0x12: {  	s7 =	sand.u32 $0x70, s7;
	s5 =	sor.u32 s5, s6;
	s4 =	sand.u32 $0x70, s4  }
0x13: {  	s6 =	sshll.u32 s19, $0x1;
	s26 =	rddreg [dreg:$0x5];
	s4 =	sadd.s32 s8, s4  }
0x14: {  	[tilespmem:s3], [sflag:$0x1] =	stream.linear.gather [hbm4b:s26+s3], $0x80, $0x38;
	[tilespmem:$0x161C0] =	vst v63  }
0x15: {  	s6 =	sand.u32 $0x70, s6;
	s4 =	sadd.s32 s5, s4;
	s5 =	sand.u32 $0x1C00, s20  }
0x16: {  	s6 =	sadd.s32 s8, s6;
	s5 =	sor.u32 s5, s9;
	s9 =	sshll.u32 s21, $0x1  }
0x17: {  	s10 =	sor.u32 s10, s12;
	s9 =	sand.u32 $0x70, s9;
	s5 =	sadd.s32 s5, s6  }
0x18: {  	s9 =	sadd.s32 s8, s9;
	s8 =	sadd.s32 s8, s7;
	s7 =	simm.s32 $0x80  }
0x19: {  	s6 =	sadd.s32 s10, s9;
	s9 =	sand.u32 $0x1C00, s22;
	s10 =	sand.u32 $0x380, s25  }
0x1a: {  	[tilespmem:s7], [sflag:$0x1] =	stream.linear.gather [hbm4b:s4+s3], $0x80, $0x38;
	[tilespmem:$0x161C0] =	vst v63  }
0x1b: {  	s14 =	sshll.u32 @!p0 s0, $0x6;
	s15 =	simm.s32 @!p0 $0x3;
	s9 =	sor.u32 s9, s10  }
0x1c: {  	s10 =	sshrl.u32 s30, $0x2;
	s8 =	sadd.s32 s9, s8;
	s9 =	simm.s32 $0x100  }
0x1d: {  	[tilespmem:s9], [sflag:$0x1] =	stream.linear.gather [hbm4b:s5+s3], $0x80, $0x38;
	[tilespmem:$0x161C0] =	vst v63  }
0x1e: {  	s11 =	sadd.s32 s11, s31;
	s13 =	sadd.s32 s10, s2;
	s10 =	simm.s32 $0x180  }
0x1f: {  	[tilespmem:s10], [sflag:$0x1] =	stream.linear.gather [hbm4b:s6+s3], $0x80, $0x38;
	[tilespmem:$0x161C0] =	vst v63  }
0x20: {  	s14 =	sor.u32 @!p0 $0x1C03, s14;
	s12 =	simm.s32 $0x200;
	s13 =	sshrl.u32 @!p0 s13, $0x3  }
0x21: {  	[tilespmem:s12], [sflag:$0x1] =	stream.linear.gather [hbm4b:s8+s3], $0x80, $0x38;
	[tilespmem:$0x161C0] =	vst v63  }
0x22: {  	[spmem:s13], [sflag:s14] =	dma.local @!p0 [hbm:s11], $0xC80  }
0x23: {  	_ =	swait.ge @!p0 [sflag:s15], $0xC80  }
0x24: {  	[sflag:s15] =	ssyncset.done @!p0 $0x0  }
0x25: {  	[sflag:s15] =	ssyncadd.s32 @!p0 $0xFFFFF380  }
0x26: {  	s16 =	simm.s32 $0x1;
	[bflag:$0x0] =	sbarrier.arrive $0xFFFF  }
0x27: {  	_ =	swait.ge [sflag:s16], $0x80  }
0x28: {  	[sflag:s16] =	ssyncset.done $0x0  }
0x29: {  	s17 =	simm.s32 $0x280;
	[sflag:s16] =	ssyncadd.s32 $0xFFFFFF80  }
0x2a: {  	[tilespmem:s17], [sflag:$0x2] =	stream.indirect.gather [spmem:s2], $0x80, s3, s7, $0xb8;
	[tilespmem:$0x161C0] =	vst v63  }
0x2b: {  	_ =	swait.ge [sflag:s16], $0x80  }
0x2c: {  	[sflag:s16] =	ssyncset.done $0x0  }
0x2d: {  	s18 =	simm.s32 $0x4280;
	[sflag:s16] =	ssyncadd.s32 $0xFFFFFF80  }
0x2e: {  	[tilespmem:s18], [sflag:$0x2] =	stream.indirect.gather [spmem:s2], $0x80, s7, s7, $0xb8;
	[tilespmem:$0x161C0] =	vst v63  }
0x2f: {  	_ =	swait.ge [sflag:s16], $0x80  }
0x30: {  	[sflag:s16] =	ssyncset.done $0x0  }
0x31: {  	s19 =	simm.s32 $0x8280;
	[sflag:s16] =	ssyncadd.s32 $0xFFFFFF80  }
0x32: {  	[tilespmem:s19], [sflag:$0x2] =	stream.indirect.gather [spmem:s2], $0x80, s9, s7, $0xb8;
	[tilespmem:$0x161C0] =	vst v63  }
0x33: {  	_ =	swait.ge [sflag:s16], $0x80  }
0x34: {  	[sflag:s16] =	ssyncset.done $0x0  }
0x35: {  	s20 =	simm.s32 $0xC280;
	[sflag:s16] =	ssyncadd.s32 $0xFFFFFF80  }
0x36: {  	[tilespmem:s20], [sflag:$0x2] =	stream.indirect.gather [spmem:s2], $0x80, s10, s7, $0xb8;
	[tilespmem:$0x161C0] =	vst v63  }
0x37: {  	_ =	swait.ge [sflag:s16], $0x80  }
0x38: {  	[sflag:s16] =	ssyncset.done $0x0  }
0x39: {  	s21 =	simm.s32 $0x10280;
	s22 =	simm.s32 $0x2;
	[sflag:s16] =	ssyncadd.s32 $0xFFFFFF80  }
0x3a: {  	[tilespmem:s21], [sflag:$0x2] =	stream.indirect.gather [spmem:s2], $0x80, s12, s7, $0xb8;
	[tilespmem:$0x161C0] =	vst v63  }
0x3b: {  	s25 =	smul.u32 $0x2800, s24;
	_ =	swait.ge [sflag:s22], $0x4000  }
0x3c: {  	s26 =	sadd.s32 $0xA00, s23;
	[sflag:s22] =	ssyncset.done $0x0  }
0x3d: {  	s24 =	smul.u32 $0x14000, s24;
	s23 =	sadd.s32 s26, s25;
	[sflag:s22] =	ssyncadd.s32 $0xFFFFC000  }
0x3e: {  	[hbm4b:s23+s3] =	stream.linear.scatter [tilespmem:s17], [sflag:$0x1], $0x4000, $0x38;
	[tilespmem:$0x161C0] =	vst v63  }
0x3f: {  	s24 =	sshrl.u32 s24, $0x3;
	_ =	swait.ge [sflag:s22], $0x4000  }
0x40: {  	s28 =	sadd.s32 s26, s24;
	[sflag:s22] =	ssyncset.done $0x0  }
0x41: {  	s24 =	sadd.s32 $0x800, s28;
	[sflag:s22] =	ssyncadd.s32 $0xFFFFC000  }
0x42: {  	[hbm4b:s24+s3] =	stream.linear.scatter [tilespmem:s18], [sflag:$0x1], $0x4000, $0x38;
	[tilespmem:$0x161C0] =	vst v63  }
0x43: {  	_ =	swait.ge [sflag:s22], $0x4000  }
0x44: {  	[sflag:s22] =	ssyncset.done $0x0  }
0x45: {  	s25 =	sadd.s32 $0x1000, s28;
	[sflag:s22] =	ssyncadd.s32 $0xFFFFC000  }
0x46: {  	[hbm4b:s25+s3] =	stream.linear.scatter [tilespmem:s19], [sflag:$0x1], $0x4000, $0x38;
	[tilespmem:$0x161C0] =	vst v63  }
0x47: {  	_ =	swait.ge [sflag:s22], $0x4000  }
0x48: {  	[sflag:s22] =	ssyncset.done $0x0  }
0x49: {  	s26 =	sadd.s32 $0x1800, s28;
	[sflag:s22] =	ssyncadd.s32 $0xFFFFC000  }
0x4a: {  	[hbm4b:s26+s3] =	stream.linear.scatter [tilespmem:s20], [sflag:$0x1], $0x4000, $0x38;
	[tilespmem:$0x161C0] =	vst v63  }
0x4b: {  	_ =	swait.ge [sflag:s22], $0x4000  }
0x4c: {  	[sflag:s22] =	ssyncset.done $0x0  }
0x4d: {  	s28 =	sadd.s32 $0x2000, s28;
	[sflag:s22] =	ssyncadd.s32 $0xFFFFC000  }
0x4e: {  	[hbm4b:s28+s3] =	stream.linear.scatter [tilespmem:s21], [sflag:$0x1], $0x4000, $0x38;
	[tilespmem:$0x161C0] =	vst v63  }
0x4f: {  	_ =	swait.ge [sflag:s16], $0x4000  }
0x50: {  	[sflag:s16] =	ssyncset.done $0x0  }
0x51: {  	s29 =	ssub.s32 $0x2, s29;
	[sflag:s16] =	ssyncadd.s32 $0xFFFFC000  }
0x52: {  	s30 =	sshrl.u32 s29, $0x1;
	_ =	swait.ge [sflag:s16], $0x4000  }
0x53: {  	s29 =	ssub.s32 s29, s30;
	[sflag:s16] =	ssyncset.done $0x0  }
0x54: {  	s29 =	smax.u32 s29, $0x1;
	[sflag:s16] =	ssyncadd.s32 $0xFFFFC000  }
0x55: {  	s29 =	sadd.s32 $0xFFFFFFFF, s29;
	_ =	swait.ge [sflag:s16], $0x4000  }
0x56: {  	p1 =	sne.s32 s29, $0x0;
	[sflag:s16] =	ssyncset.done $0x0  }
.Ltmp0:
0x57: {  	[sflag:s16] =	ssyncadd.s32 $0xFFFFC000;
	(pc) =	sbr.rel @!p1 .LBB2_2-.Ltmp0, $4  }
0x58: {  	_ =	swait.ge [sflag:s16], $0x4000  }
0x59: {  	[sflag:s16] =	ssyncset.done $0x0  }
0x5a: {  	[sflag:s16] =	ssyncadd.s32 $0xFFFFC000  }
0x5b: {  	_ =	swait.ge [sflag:s16], $0x4000  }
.LBB2_1:
0x5c: {  	[sflag:s16] =	ssyncset.done $0x0  }
0x5d: {  	s30 =	rddreg [dreg:$0x5];
	[sflag:s16] =	ssyncadd.s32 $0xFFFFC000  }
0x5e: {  	[tilespmem:s3], [sflag:$0x1] =	stream.linear.gather [hbm4b:s30+s3], $0x80, $0x38;
	[tilespmem:$0x161C0] =	vst v63  }
0x5f: {  	_ = 	snop  }
0x60: {  	[tilespmem:s7], [sflag:$0x1] =	stream.linear.gather [hbm4b:s4+s3], $0x80, $0x38;
	[tilespmem:$0x161C0] =	vst v63  }
0x61: {  	_ = 	snop  }
0x62: {  	[tilespmem:s9], [sflag:$0x1] =	stream.linear.gather [hbm4b:s5+s3], $0x80, $0x38;
	[tilespmem:$0x161C0] =	vst v63  }
0x63: {  	_ = 	snop  }
0x64: {  	[tilespmem:s10], [sflag:$0x1] =	stream.linear.gather [hbm4b:s6+s3], $0x80, $0x38;
	[tilespmem:$0x161C0] =	vst v63  }
0x65: {  	_ = 	snop  }
0x66: {  	[tilespmem:s12], [sflag:$0x1] =	stream.linear.gather [hbm4b:s8+s3], $0x80, $0x38;
	[tilespmem:$0x161C0] =	vst v63  }
0x67: {  	[spmem:s13], [sflag:s14] =	dma.local @!p0 [hbm:s11], $0xC80  }
0x68: {  	_ =	swait.ge @!p0 [sflag:s15], $0xC80  }
0x69: {  	[sflag:s15] =	ssyncset.done @!p0 $0x0  }
0x6a: {  	[sflag:s15] =	ssyncadd.s32 @!p0 $0xFFFFF380  }
0x6b: {  	[bflag:$0x0] =	sbarrier.arrive $0xFFFF  }
0x6c: {  	_ =	swait.ge [sflag:s16], $0x80  }
0x6d: {  	[sflag:s16] =	ssyncset.done $0x0  }
0x6e: {  	[sflag:s16] =	ssyncadd.s32 $0xFFFFFF80  }
0x6f: {  	[tilespmem:s17], [sflag:$0x2] =	stream.indirect.gather [spmem:s2], $0x80, s3, s7, $0xb8;
	[tilespmem:$0x161C0] =	vst v63  }
0x70: {  	_ =	swait.ge [sflag:s16], $0x80  }
0x71: {  	[sflag:s16] =	ssyncset.done $0x0  }
0x72: {  	[sflag:s16] =	ssyncadd.s32 $0xFFFFFF80  }
0x73: {  	[tilespmem:s18], [sflag:$0x2] =	stream.indirect.gather [spmem:s2], $0x80, s7, s7, $0xb8;
	[tilespmem:$0x161C0] =	vst v63  }
0x74: {  	_ =	swait.ge [sflag:s16], $0x80  }
0x75: {  	[sflag:s16] =	ssyncset.done $0x0  }
0x76: {  	[sflag:s16] =	ssyncadd.s32 $0xFFFFFF80  }
0x77: {  	[tilespmem:s19], [sflag:$0x2] =	stream.indirect.gather [spmem:s2], $0x80, s9, s7, $0xb8;
	[tilespmem:$0x161C0] =	vst v63  }
0x78: {  	_ =	swait.ge [sflag:s16], $0x80  }
0x79: {  	[sflag:s16] =	ssyncset.done $0x0  }
0x7a: {  	[sflag:s16] =	ssyncadd.s32 $0xFFFFFF80  }
0x7b: {  	[tilespmem:s20], [sflag:$0x2] =	stream.indirect.gather [spmem:s2], $0x80, s10, s7, $0xb8;
	[tilespmem:$0x161C0] =	vst v63  }
0x7c: {  	_ =	swait.ge [sflag:s16], $0x80  }
0x7d: {  	[sflag:s16] =	ssyncset.done $0x0  }
0x7e: {  	[sflag:s16] =	ssyncadd.s32 $0xFFFFFF80  }
0x7f: {  	[tilespmem:s21], [sflag:$0x2] =	stream.indirect.gather [spmem:s2], $0x80, s12, s7, $0xb8;
	[tilespmem:$0x161C0] =	vst v63  }
0x80: {  	_ =	swait.ge [sflag:s22], $0x4000  }
0x81: {  	[sflag:s22] =	ssyncset.done $0x0  }
0x82: {  	[sflag:s22] =	ssyncadd.s32 $0xFFFFC000  }
0x83: {  	[hbm4b:s23+s3] =	stream.linear.scatter [tilespmem:s17], [sflag:$0x1], $0x4000, $0x38;
	[tilespmem:$0x161C0] =	vst v63  }
0x84: {  	_ =	swait.ge [sflag:s22], $0x4000  }
0x85: {  	[sflag:s22] =	ssyncset.done $0x0  }
0x86: {  	[sflag:s22] =	ssyncadd.s32 $0xFFFFC000  }
0x87: {  	[hbm4b:s24+s3] =	stream.linear.scatter [tilespmem:s18], [sflag:$0x1], $0x4000, $0x38;
	[tilespmem:$0x161C0] =	vst v63  }
0x88: {  	_ =	swait.ge [sflag:s22], $0x4000  }
0x89: {  	[sflag:s22] =	ssyncset.done $0x0  }
0x8a: {  	[sflag:s22] =	ssyncadd.s32 $0xFFFFC000  }
0x8b: {  	[hbm4b:s25+s3] =	stream.linear.scatter [tilespmem:s19], [sflag:$0x1], $0x4000, $0x38;
	[tilespmem:$0x161C0] =	vst v63  }
0x8c: {  	_ =	swait.ge [sflag:s22], $0x4000  }
0x8d: {  	[sflag:s22] =	ssyncset.done $0x0  }
0x8e: {  	[sflag:s22] =	ssyncadd.s32 $0xFFFFC000  }
0x8f: {  	[hbm4b:s26+s3] =	stream.linear.scatter [tilespmem:s20], [sflag:$0x1], $0x4000, $0x38;
	[tilespmem:$0x161C0] =	vst v63  }
0x90: {  	_ =	swait.ge [sflag:s22], $0x4000  }
0x91: {  	[sflag:s22] =	ssyncset.done $0x0  }
0x92: {  	[sflag:s22] =	ssyncadd.s32 $0xFFFFC000  }
0x93: {  	[hbm4b:s28+s3] =	stream.linear.scatter [tilespmem:s21], [sflag:$0x1], $0x4000, $0x38;
	[tilespmem:$0x161C0] =	vst v63  }
0x94: {  	_ =	swait.ge [sflag:s16], $0x4000  }
0x95: {  	[sflag:s16] =	ssyncset.done $0x0  }
0x96: {  	[sflag:s16] =	ssyncadd.s32 $0xFFFFC000  }
0x97: {  	_ =	swait.ge [sflag:s16], $0x4000  }
0x98: {  	[sflag:s16] =	ssyncset.done $0x0  }
0x99: {  	[sflag:s16] =	ssyncadd.s32 $0xFFFFC000  }
0x9a: {  	s29 =	sadd.s32 $0xFFFFFFFF, s29;
	_ =	swait.ge [sflag:s16], $0x4000  }
0x9b: {  	p1 =	sne.s32 s29, $0x0;
	[sflag:s16] =	ssyncset.done $0x0  }
.Ltmp1:
0x9c: {  	[sflag:s16] =	ssyncadd.s32 $0xFFFFC000;
	(pc) =	sbr.rel @p1 .LBB2_1-.Ltmp1, $4  }
0x9d: {  	_ =	swait.ge [sflag:s16], $0x4000  }
0x9e: {  	[sflag:s16] =	ssyncset.done $0x0  }
0x9f: {  	[sflag:s16] =	ssyncadd.s32 $0xFFFFC000  }
0xa0: {  	_ =	swait.ge [sflag:s16], $0x4000  }
.LBB2_2:
0xa1: {  	[sflag:s16] =	ssyncset.done $0x0  }
0xa2: {  	[sflag:s16] =	ssyncadd.s32 $0xFFFFC000  }
0xa3: {  	_ =	sfence.sel $0x180000  }
0xa4: {  	[bflag:$0x0] =	sbarrier.arrive $0xFFFF  }
0xa5: {  	p0 =	sne.s32 s0, $0x0;
	_ =	strace $0x90000047  }
0xa6: {  	s0 =	sadd.s32 @!p0 $0x100000, s1;
	[bflag:$0x2] =	sbarrier.arrive $0xFFFF  }
0xa7: {  	[sflag:s0] =	ssyncadd.tile.s32 @!p0 $0x1;
	_ =	shalt  }
.Lfunc_end2:
_tile_overlayer_lowered:
.L_overlay_start_2:
0xa8: {  	(tag) =	ssettag $0x2  }
0xa9: {  	s0 =	rddreg [dreg:$0x0];
	s2 =	stileid.u32  }
0xaa: {  	s1 =	rddreg [dreg:$0x1];
	p0 =	sne.s32 s2, $0x0  }
0xab: {  	s3 =	rddreg [dreg:$0x2];
	[bflag:$0x3] =	sbarrier.arrive $0xFFFF;
	s2 =	simm.s32 @!p0 $0x1C03  }
0xac: {  	[timem:s3], [sflag:s2] =	dma.local @!p0 [hbm:s0], s1  }
0xad: {  	s0 =	simm.s32 @!p0 $0x3  }
0xae: {  	_ =	swait.ge @!p0 [sflag:s0], s1  }
0xaf: {  	s1 =	ssub.s32 @!p0 $0x0, s1;
	[sflag:s0] =	ssyncset.done @!p0 $0x0  }
0xb0: {  	[sflag:s0] =	ssyncadd.s32 @!p0 s1  }
0xb1: {  	[bflag:$0x3] =	sbarrier.arrive $0xFFFF  }
0xb2: {  	_ =	shalt  }

</sc_bundles>
